<compile_context>
chip_gen: v7x
topology: tpu7x:2x2x1
jax: 0.10.2.dev20260603
libtpu: 0.0.44.dev20260713+nightly
codegen_flags: <defaults>
</compile_context>

<pallas_src>
import functools

import jax
import jax.numpy as jnp
from jax import lax
from jax.experimental import pallas as pl
from jax.experimental.pallas import tpu as pltpu
from jax.experimental.pallas import tpu_sc as plsc

D = 128
SEQ = 200
TOK = 1024 * SEQ
NC, NS = 2, 16
NW = NC * NS
TPW = TOK // NW
C = 128
NCHUNK = TPW // C
LN_EPS = 1e-12
KVEC = D // 16


def _ln_body(ids, tts, word, pos, typ, gamma, beta, out,
             comb, typev, rows, idxall, ttall, gv, bv, sem):
    wid = lax.axis_index("s") * NC + lax.axis_index("c")
    base0 = wid * TPW

    pltpu.sync_copy(ids.at[pl.ds(base0, TPW)], idxall)
    pltpu.sync_copy(tts.at[pl.ds(base0, TPW)], ttall)
    pltpu.sync_copy(pos.at[pl.ds(0, SEQ)], comb.at[pl.ds(0, SEQ)])
    pltpu.sync_copy(pos.at[pl.ds(0, SEQ)], comb.at[pl.ds(SEQ, SEQ)])
    pltpu.sync_copy(typ, typev)
    pltpu.sync_copy(gamma, gv)
    pltpu.sync_copy(beta, bv)

    @plsc.parallel_loop(0, SEQ, 1, unroll=2)
    def add_type(l):
        for k in range(KVEC):
            s = pl.ds(k * 16, 16)
            comb[l, s] = comb[l, s] + typev[0, s]
            comb[SEQ + l, s] = comb[SEQ + l, s] + typev[1, s]

    lanes = lax.iota(jnp.int32, 16)
    perms = [lanes ^ sh for sh in (1, 2, 4, 8)]

    _gdn = lax.GatherDimensionNumbers(
        offset_dims=(), collapsed_slice_dims=(0,), start_index_map=(0,))

    def _perm(v, p):
        return lax.gather(v, p[:, None], dimension_numbers=_gdn,
                          slice_sizes=(1,),
                          mode=lax.GatherScatterMode.PROMISE_IN_BOUNDS)

    def xsum(v):
        for p in perms:
            v = v + _perm(v, p)
        return v

    gvs = [gv[pl.ds(k * 16, 16)] for k in range(KVEC)]
    bvs = [bv[pl.ds(k * 16, 16)] for k in range(KVEC)]

    def chunk_body(c, carry):
        coff = c * C
        pltpu.async_copy(
            word.at[idxall.at[pl.ds(coff, C)]], rows, sem).wait()
        pos0 = lax.rem(base0 + coff, SEQ)

        @plsc.parallel_loop(0, C, 1, unroll=4)
        def tok_body(t):
            tsplat = jnp.full((16,), coff + t, jnp.int32)
            ttk = plsc.load_gather(ttall, [tsplat])
            p = lax.rem(pos0 + t, SEQ)
            arow = ttk * SEQ + p
            xs = []
            for k in range(KVEC):
                ad = plsc.load_gather(comb, [arow, lanes + (k * 16)])
                xs.append(rows[t, pl.ds(k * 16, 16)] + ad)
            s = xs[0]
            for k in range(1, KVEC):
                s = s + xs[k]
            sq = xs[0] * xs[0]
            for k in range(1, KVEC):
                sq = sq + xs[k] * xs[k]
            meanv = xsum(s) * (1.0 / D)
            varv = xsum(sq) * (1.0 / D) - meanv * meanv + LN_EPS
            yi = jnp.int32(0x5F3759DF) - lax.shift_right_arithmetic(
                plsc.bitcast(varv, jnp.int32), 1)
            y = plsc.bitcast(yi, jnp.float32)
            for _ in range(2):
                y = y * (1.5 - 0.5 * varv * y * y)
            for k in range(KVEC):
                rows[t, pl.ds(k * 16, 16)] = (xs[k] - meanv) * (gvs[k] * y) + bvs[k]

        pltpu.sync_copy(rows, out.at[pl.ds(base0 + coff, C)])
        return carry

    lax.fori_loop(0, NCHUNK, chunk_body, 0)


_ln_kernel = functools.partial(
    pl.kernel,
    out_type=jax.ShapeDtypeStruct((TOK, D), jnp.float32),
    mesh=plsc.VectorSubcoreMesh(core_axis_name="c", subcore_axis_name="s"),
    scratch_types=[
        pltpu.VMEM((2 * SEQ, D), jnp.float32),
        pltpu.VMEM((2, D), jnp.float32),
        pltpu.VMEM((C, D), jnp.float32),
        pltpu.VMEM((TPW,), jnp.int32),
        pltpu.VMEM((TPW,), jnp.int32),
        pltpu.VMEM((D,), jnp.float32),
        pltpu.VMEM((D,), jnp.float32),
        pltpu.SemaphoreType.DMA,
    ],
    compiler_params=pltpu.CompilerParams(needs_layout_passes=False),
)(_ln_body)


def kernel(input_ids, token_type_ids, word_emb, pos_emb, type_emb, gamma, beta):
    b, l = input_ids.shape
    ids = input_ids.reshape(-1).astype(jnp.int32)
    tts = token_type_ids.reshape(-1).astype(jnp.int32)
    out = _ln_kernel(ids, tts, word_emb, pos_emb, type_emb, gamma, beta)
    return out.reshape(b, l, D)

# --- scband reference (transcript-rebuilt; emitter-appended) ---
"""Pipeline reference for scband-bert-embeddings-59330678227447 (READ-ONLY COPY).

The authoritative reference and input builder live on the scoring server;
editing this copy changes nothing except your own understanding.
"""

import jax, jax.numpy as jnp
import numpy as np

VOCAB = 100000
D_MODEL = 128
MAX_POS = 512
TYPE_VOCAB = 2
LN_EPS = 1e-12
B, L = 1024, 200


def setup_inputs(seed: int = 0) -> dict:
    key = jax.random.key(seed)
    k1, k2, k3, k4, k5 = jax.random.split(key, 5)
    input_ids = jax.random.randint(k1, (B, L), 0, VOCAB, dtype=jnp.int64 if jax.config.jax_enable_x64 else jnp.int32)
    token_type_ids = jax.random.randint(k2, (B, L), 0, TYPE_VOCAB, dtype=input_ids.dtype)
    word_emb = jax.random.normal(k3, (VOCAB, D_MODEL), dtype=jnp.float32) * 0.02
    # padding_idx=0: zero out row 0 like nn.Embedding(padding_idx=0)
    word_emb = word_emb.at[0].set(0.0)
    pos_emb = jax.random.normal(k4, (MAX_POS, D_MODEL), dtype=jnp.float32) * 0.02
    type_emb = jax.random.normal(k5, (TYPE_VOCAB, D_MODEL), dtype=jnp.float32) * 0.02
    gamma = jnp.ones((D_MODEL,), dtype=jnp.float32)
    beta = jnp.zeros((D_MODEL,), dtype=jnp.float32)
    return {"input_ids": input_ids, "token_type_ids": token_type_ids,
            "word_emb": word_emb, "pos_emb": pos_emb, "type_emb": type_emb,
            "gamma": gamma, "beta": beta}


def reference(input_ids, token_type_ids, word_emb, pos_emb, type_emb, gamma, beta):
    seq_len = input_ids.shape[1]
    inputs_embeds = jnp.take(word_emb, input_ids, axis=0)            # [B, L, D]
    token_type_embeddings = jnp.take(type_emb, token_type_ids, axis=0)  # [B, L, D]
    position_ids = jnp.arange(seq_len)[None, :]                       # [1, L]
    position_embeddings = jnp.take(pos_emb, position_ids, axis=0)     # [1, L, D]
    embeddings = inputs_embeds + token_type_embeddings + position_embeddings
    # LayerNorm over last dim
    mean = jnp.mean(embeddings, axis=-1, keepdims=True)
    var = jnp.mean((embeddings - mean) ** 2, axis=-1, keepdims=True)
    normed = (embeddings - mean) / jnp.sqrt(var + LN_EPS)
    out = normed * gamma + beta
    # dropout: identity in eval mode
    return out

if __name__ == "__main__":
    import jax
    _d = setup_inputs()
    print(jax.jit(kernel)(*tuple(_d.values())))

</pallas_src>

<mosaic_0001>
#map = affine_map<(d0, d1) -> (0)>
#map1 = affine_map<(d0, d1) -> (0, 0)>
module attributes {stable_mosaic.version = 14 : i64} {
  func.func @_ln_body(%arg0: i32, %arg1: i32, %arg2: memref<204800xi32, #tpu.memory_space<hbm>>, %arg3: memref<204800xi32, #tpu.memory_space<hbm>>, %arg4: memref<100000x128xf32, #tpu.memory_space<hbm>>, %arg5: memref<512x128xf32, #tpu.memory_space<hbm>>, %arg6: memref<2x128xf32, #tpu.memory_space<hbm>>, %arg7: memref<128xf32, #tpu.memory_space<hbm>>, %arg8: memref<128xf32, #tpu.memory_space<hbm>>, %arg9: memref<204800x128xf32, #tpu.memory_space<hbm>>, %arg10: memref<400x128xf32, #tpu.memory_space<vmem>>, %arg11: memref<2x128xf32, #tpu.memory_space<vmem>>, %arg12: memref<128x128xf32, #tpu.memory_space<vmem>>, %arg13: memref<6400xi32, #tpu.memory_space<vmem>>, %arg14: memref<6400xi32, #tpu.memory_space<vmem>>, %arg15: memref<128xf32, #tpu.memory_space<vmem>>, %arg16: memref<128xf32, #tpu.memory_space<vmem>>, %arg17: memref<!tpu.dma_semaphore, #tpu.memory_space<semaphore_mem>>) attributes {dimension_semantics = [#tpu.dimension_semantics<core_parallel>, #tpu.dimension_semantics<subcore_parallel>], iteration_bounds = array<i64: 2, 16>, scalar_prefetch = 0 : i64, scratch_operands = 8 : i64, tpu.core_type = #tpu.core_type<sc_vector_subcore>, window_params = [{transform_indices = #map}, {transform_indices = #map}, {transform_indices = #map1}, {transform_indices = #map1}, {transform_indices = #map1}, {transform_indices = #map}, {transform_indices = #map}, {transform_indices = #map1}]} {
    %mul3A = arith.constant 2 : i32
    %mul3A_0 = arith.muli %arg1, %mul3A : i32
    %add3A = arith.addi %mul3A_0, %arg0 : i32
    %mul3A_1 = arith.constant 6400 : i32
    %mul3A_2 = arith.muli %add3A, %mul3A_1 : i32
    "tpu.region"() ({
      %run_scoped3A = tpu.sem_alloc : memref<!tpu.dma_semaphore, #tpu.memory_space<semaphore_mem>>
      %dma_start3A = tpu.memref_slice %arg2[%mul3A_2] : memref<204800xi32, #tpu.memory_space<hbm>> -> memref<6400xi32, #tpu.memory_space<hbm>>
      %dma_start3A_52 = tpu.memref_slice %arg2[%mul3A_2] : memref<204800xi32, #tpu.memory_space<hbm>> -> memref<6400xi32, #tpu.memory_space<hbm>>
      tpu.enqueue_dma source(%dma_start3A_52 : memref<6400xi32, #tpu.memory_space<hbm>>) target(%arg13 : memref<6400xi32, #tpu.memory_space<vmem>>) target_semaphore(%run_scoped3A : memref<!tpu.dma_semaphore, #tpu.memory_space<semaphore_mem>>)
      %dma_wait3A = tpu.memref_slice %arg2[%mul3A_2] : memref<204800xi32, #tpu.memory_space<hbm>> -> memref<6400xi32, #tpu.memory_space<hbm>>
      %dma_wait3A_53 = tpu.memref_slice %arg2[%mul3A_2] : memref<204800xi32, #tpu.memory_space<hbm>> -> memref<6400xi32, #tpu.memory_space<hbm>>
      tpu.wait_dma2 semaphore(%run_scoped3A : memref<!tpu.dma_semaphore, #tpu.memory_space<semaphore_mem>>) src(%dma_wait3A_53 : memref<6400xi32, #tpu.memory_space<hbm>>) dst(%arg13 : memref<6400xi32, #tpu.memory_space<vmem>>)
      tpu.yield
    }) : () -> ()
    "tpu.region"() ({
      %run_scoped3A = tpu.sem_alloc : memref<!tpu.dma_semaphore, #tpu.memory_space<semaphore_mem>>
      %dma_start3A = tpu.memref_slice %arg3[%mul3A_2] : memref<204800xi32, #tpu.memory_space<hbm>> -> memref<6400xi32, #tpu.memory_space<hbm>>
      %dma_start3A_52 = tpu.memref_slice %arg3[%mul3A_2] : memref<204800xi32, #tpu.memory_space<hbm>> -> memref<6400xi32, #tpu.memory_space<hbm>>
      tpu.enqueue_dma source(%dma_start3A_52 : memref<6400xi32, #tpu.memory_space<hbm>>) target(%arg14 : memref<6400xi32, #tpu.memory_space<vmem>>) target_semaphore(%run_scoped3A : memref<!tpu.dma_semaphore, #tpu.memory_space<semaphore_mem>>)
      %dma_wait3A = tpu.memref_slice %arg3[%mul3A_2] : memref<204800xi32, #tpu.memory_space<hbm>> -> memref<6400xi32, #tpu.memory_space<hbm>>
      %dma_wait3A_53 = tpu.memref_slice %arg3[%mul3A_2] : memref<204800xi32, #tpu.memory_space<hbm>> -> memref<6400xi32, #tpu.memory_space<hbm>>
      tpu.wait_dma2 semaphore(%run_scoped3A : memref<!tpu.dma_semaphore, #tpu.memory_space<semaphore_mem>>) src(%dma_wait3A_53 : memref<6400xi32, #tpu.memory_space<hbm>>) dst(%arg14 : memref<6400xi32, #tpu.memory_space<vmem>>)
      tpu.yield
    }) : () -> ()
    "tpu.region"() ({
      %run_scoped3A = tpu.sem_alloc : memref<!tpu.dma_semaphore, #tpu.memory_space<semaphore_mem>>
      %dma_start3A = arith.constant 0 : i32
      %dma_start3A_52 = arith.constant 0 : i32
      %dma_start3A_53 = tpu.memref_slice %arg10[%dma_start3A, %dma_start3A_52] : memref<400x128xf32, #tpu.memory_space<vmem>> -> memref<200x128xf32, #tpu.memory_space<vmem>>
      %dma_start3A_54 = arith.constant 0 : i32
      %dma_start3A_55 = arith.constant 0 : i32
      %dma_start3A_56 = tpu.memref_slice %arg5[%dma_start3A_54, %dma_start3A_55] : memref<512x128xf32, #tpu.memory_space<hbm>> -> memref<200x128xf32, #tpu.memory_space<hbm>>
      %dma_start3A_57 = arith.constant 0 : i32
      %dma_start3A_58 = arith.constant 0 : i32
      %dma_start3A_59 = tpu.memref_slice %arg10[%dma_start3A_57, %dma_start3A_58] : memref<400x128xf32, #tpu.memory_space<vmem>> -> memref<200x128xf32, #tpu.memory_space<vmem>>
      %dma_start3A_60 = arith.constant 0 : i32
      %dma_start3A_61 = arith.constant 0 : i32
      %dma_start3A_62 = tpu.memref_slice %arg5[%dma_start3A_60, %dma_start3A_61] : memref<512x128xf32, #tpu.memory_space<hbm>> -> memref<200x128xf32, #tpu.memory_space<hbm>>
      tpu.enqueue_dma source(%dma_start3A_62 : memref<200x128xf32, #tpu.memory_space<hbm>>) target(%dma_start3A_59 : memref<200x128xf32, #tpu.memory_space<vmem>>) target_semaphore(%run_scoped3A : memref<!tpu.dma_semaphore, #tpu.memory_space<semaphore_mem>>)
      %dma_wait3A = arith.constant 0 : i32
      %dma_wait3A_63 = arith.constant 0 : i32
      %dma_wait3A_64 = tpu.memref_slice %arg10[%dma_wait3A, %dma_wait3A_63] : memref<400x128xf32, #tpu.memory_space<vmem>> -> memref<200x128xf32, #tpu.memory_space<vmem>>
      %dma_wait3A_65 = arith.constant 0 : i32
      %dma_wait3A_66 = arith.constant 0 : i32
      %dma_wait3A_67 = tpu.memref_slice %arg5[%dma_wait3A_65, %dma_wait3A_66] : memref<512x128xf32, #tpu.memory_space<hbm>> -> memref<200x128xf32, #tpu.memory_space<hbm>>
      %dma_wait3A_68 = arith.constant 0 : i32
      %dma_wait3A_69 = arith.constant 0 : i32
      %dma_wait3A_70 = tpu.memref_slice %arg10[%dma_wait3A_68, %dma_wait3A_69] : memref<400x128xf32, #tpu.memory_space<vmem>> -> memref<200x128xf32, #tpu.memory_space<vmem>>
      %dma_wait3A_71 = arith.constant 0 : i32
      %dma_wait3A_72 = arith.constant 0 : i32
      %dma_wait3A_73 = tpu.memref_slice %arg5[%dma_wait3A_71, %dma_wait3A_72] : memref<512x128xf32, #tpu.memory_space<hbm>> -> memref<200x128xf32, #tpu.memory_space<hbm>>
      tpu.wait_dma2 semaphore(%run_scoped3A : memref<!tpu.dma_semaphore, #tpu.memory_space<semaphore_mem>>) src(%dma_wait3A_73 : memref<200x128xf32, #tpu.memory_space<hbm>>) dst(%dma_wait3A_70 : memref<200x128xf32, #tpu.memory_space<vmem>>)
      tpu.yield
    }) : () -> ()
    "tpu.region"() ({
      %run_scoped3A = tpu.sem_alloc : memref<!tpu.dma_semaphore, #tpu.memory_space<semaphore_mem>>
      %dma_start3A = arith.constant 200 : i32
      %dma_start3A_52 = arith.constant 0 : i32
      %dma_start3A_53 = tpu.memref_slice %arg10[%dma_start3A, %dma_start3A_52] : memref<400x128xf32, #tpu.memory_space<vmem>> -> memref<200x128xf32, #tpu.memory_space<vmem>>
      %dma_start3A_54 = arith.constant 0 : i32
      %dma_start3A_55 = arith.constant 0 : i32
      %dma_start3A_56 = tpu.memref_slice %arg5[%dma_start3A_54, %dma_start3A_55] : memref<512x128xf32, #tpu.memory_space<hbm>> -> memref<200x128xf32, #tpu.memory_space<hbm>>
      %dma_start3A_57 = arith.constant 200 : i32
      %dma_start3A_58 = arith.constant 0 : i32
      %dma_start3A_59 = tpu.memref_slice %arg10[%dma_start3A_57, %dma_start3A_58] : memref<400x128xf32, #tpu.memory_space<vmem>> -> memref<200x128xf32, #tpu.memory_space<vmem>>
      %dma_start3A_60 = arith.constant 0 : i32
      %dma_start3A_61 = arith.constant 0 : i32
      %dma_start3A_62 = tpu.memref_slice %arg5[%dma_start3A_60, %dma_start3A_61] : memref<512x128xf32, #tpu.memory_space<hbm>> -> memref<200x128xf32, #tpu.memory_space<hbm>>
      tpu.enqueue_dma source(%dma_start3A_62 : memref<200x128xf32, #tpu.memory_space<hbm>>) target(%dma_start3A_59 : memref<200x128xf32, #tpu.memory_space<vmem>>) target_semaphore(%run_scoped3A : memref<!tpu.dma_semaphore, #tpu.memory_space<semaphore_mem>>)
      %dma_wait3A = arith.constant 200 : i32
      %dma_wait3A_63 = arith.constant 0 : i32
      %dma_wait3A_64 = tpu.memref_slice %arg10[%dma_wait3A, %dma_wait3A_63] : memref<400x128xf32, #tpu.memory_space<vmem>> -> memref<200x128xf32, #tpu.memory_space<vmem>>
      %dma_wait3A_65 = arith.constant 0 : i32
      %dma_wait3A_66 = arith.constant 0 : i32
      %dma_wait3A_67 = tpu.memref_slice %arg5[%dma_wait3A_65, %dma_wait3A_66] : memref<512x128xf32, #tpu.memory_space<hbm>> -> memref<200x128xf32, #tpu.memory_space<hbm>>
      %dma_wait3A_68 = arith.constant 200 : i32
      %dma_wait3A_69 = arith.constant 0 : i32
      %dma_wait3A_70 = tpu.memref_slice %arg10[%dma_wait3A_68, %dma_wait3A_69] : memref<400x128xf32, #tpu.memory_space<vmem>> -> memref<200x128xf32, #tpu.memory_space<vmem>>
      %dma_wait3A_71 = arith.constant 0 : i32
      %dma_wait3A_72 = arith.constant 0 : i32
      %dma_wait3A_73 = tpu.memref_slice %arg5[%dma_wait3A_71, %dma_wait3A_72] : memref<512x128xf32, #tpu.memory_space<hbm>> -> memref<200x128xf32, #tpu.memory_space<hbm>>
      tpu.wait_dma2 semaphore(%run_scoped3A : memref<!tpu.dma_semaphore, #tpu.memory_space<semaphore_mem>>) src(%dma_wait3A_73 : memref<200x128xf32, #tpu.memory_space<hbm>>) dst(%dma_wait3A_70 : memref<200x128xf32, #tpu.memory_space<vmem>>)
      tpu.yield
    }) : () -> ()
    "tpu.region"() ({
      %run_scoped3A = tpu.sem_alloc : memref<!tpu.dma_semaphore, #tpu.memory_space<semaphore_mem>>
      tpu.enqueue_dma source(%arg6 : memref<2x128xf32, #tpu.memory_space<hbm>>) target(%arg11 : memref<2x128xf32, #tpu.memory_space<vmem>>) target_semaphore(%run_scoped3A : memref<!tpu.dma_semaphore, #tpu.memory_space<semaphore_mem>>)
      tpu.wait_dma2 semaphore(%run_scoped3A : memref<!tpu.dma_semaphore, #tpu.memory_space<semaphore_mem>>) src(%arg6 : memref<2x128xf32, #tpu.memory_space<hbm>>) dst(%arg11 : memref<2x128xf32, #tpu.memory_space<vmem>>)
      tpu.yield
    }) : () -> ()
    "tpu.region"() ({
      %run_scoped3A = tpu.sem_alloc : memref<!tpu.dma_semaphore, #tpu.memory_space<semaphore_mem>>
      tpu.enqueue_dma source(%arg7 : memref<128xf32, #tpu.memory_space<hbm>>) target(%arg15 : memref<128xf32, #tpu.memory_space<vmem>>) target_semaphore(%run_scoped3A : memref<!tpu.dma_semaphore, #tpu.memory_space<semaphore_mem>>)
      tpu.wait_dma2 semaphore(%run_scoped3A : memref<!tpu.dma_semaphore, #tpu.memory_space<semaphore_mem>>) src(%arg7 : memref<128xf32, #tpu.memory_space<hbm>>) dst(%arg15 : memref<128xf32, #tpu.memory_space<vmem>>)
      tpu.yield
    }) : () -> ()
    "tpu.region"() ({
      %run_scoped3A = tpu.sem_alloc : memref<!tpu.dma_semaphore, #tpu.memory_space<semaphore_mem>>
      tpu.enqueue_dma source(%arg8 : memref<128xf32, #tpu.memory_space<hbm>>) target(%arg16 : memref<128xf32, #tpu.memory_space<vmem>>) target_semaphore(%run_scoped3A : memref<!tpu.dma_semaphore, #tpu.memory_space<semaphore_mem>>)
      tpu.wait_dma2 semaphore(%run_scoped3A : memref<!tpu.dma_semaphore, #tpu.memory_space<semaphore_mem>>) src(%arg8 : memref<128xf32, #tpu.memory_space<hbm>>) dst(%arg16 : memref<128xf32, #tpu.memory_space<vmem>>)
      tpu.yield
    }) : () -> ()
    %parallel_loop3A = arith.constant 0 : i32
    %parallel_loop3A_3 = arith.constant 200 : i32
    %parallel_loop3A_4 = arith.constant 1 : i32
    scf.for %parallel_loop3A_52 = %parallel_loop3A to %parallel_loop3A_3 step %parallel_loop3A_4  : i32 {
      %parallel_loop3A_53 = arith.index_cast %parallel_loop3A_52 : i32 to index
      %parallel_loop3A_54 = arith.constant 0 : index
      %parallel_loop3A_55 = tpu.vector_load %arg10[%parallel_loop3A_53, %parallel_loop3A_54] {strides = array<i32>} : memref<400x128xf32, #tpu.memory_space<vmem>>, vector<16xf32>,
      %parallel_loop3A_56 = arith.constant 0 : i32
      %parallel_loop3A_57 = arith.index_cast %parallel_loop3A_56 : i32 to index
      %parallel_loop3A_58 = arith.constant 0 : index
      %parallel_loop3A_59 = tpu.vector_load %arg11[%parallel_loop3A_57, %parallel_loop3A_58] {strides = array<i32>} : memref<2x128xf32, #tpu.memory_space<vmem>>, vector<16xf32>,
      %parallel_loop3A_60 = arith.addf %parallel_loop3A_55, %parallel_loop3A_59 : vector<16xf32>
      %parallel_loop3A_61 = arith.index_cast %parallel_loop3A_52 : i32 to index
      %parallel_loop3A_62 = arith.constant 0 : index
      %parallel_loop3A_63 = tpu.vector_load %arg10[%parallel_loop3A_61, %parallel_loop3A_62] {strides = array<i32>} : memref<400x128xf32, #tpu.memory_space<vmem>>, vector<16xf32>,
      tpu.vector_store %arg10[%parallel_loop3A_61, %parallel_loop3A_62], %parallel_loop3A_60 {strides = array<i32>} : memref<400x128xf32, #tpu.memory_space<vmem>>, vector<16xf32>,
      %parallel_loop3A_64 = arith.constant 200 : i32
      %parallel_loop3A_65 = arith.addi %parallel_loop3A_64, %parallel_loop3A_52 : i32
      %parallel_loop3A_66 = arith.index_cast %parallel_loop3A_65 : i32 to index
      %parallel_loop3A_67 = arith.constant 0 : index
      %parallel_loop3A_68 = tpu.vector_load %arg10[%parallel_loop3A_66, %parallel_loop3A_67] {strides = array<i32>} : memref<400x128xf32, #tpu.memory_space<vmem>>, vector<16xf32>,
      %parallel_loop3A_69 = arith.constant 1 : i32
      %parallel_loop3A_70 = arith.index_cast %parallel_loop3A_69 : i32 to index
      %parallel_loop3A_71 = arith.constant 0 : index
      %parallel_loop3A_72 = tpu.vector_load %arg11[%parallel_loop3A_70, %parallel_loop3A_71] {strides = array<i32>} : memref<2x128xf32, #tpu.memory_space<vmem>>, vector<16xf32>,
      %parallel_loop3A_73 = arith.addf %parallel_loop3A_68, %parallel_loop3A_72 : vector<16xf32>
      %parallel_loop3A_74 = arith.constant 200 : i32
      %parallel_loop3A_75 = arith.addi %parallel_loop3A_74, %parallel_loop3A_52 : i32
      %parallel_loop3A_76 = arith.index_cast %parallel_loop3A_75 : i32 to index
      %parallel_loop3A_77 = arith.constant 0 : index
      %parallel_loop3A_78 = tpu.vector_load %arg10[%parallel_loop3A_76, %parallel_loop3A_77] {strides = array<i32>} : memref<400x128xf32, #tpu.memory_space<vmem>>, vector<16xf32>,
      tpu.vector_store %arg10[%parallel_loop3A_76, %parallel_loop3A_77], %parallel_loop3A_73 {strides = array<i32>} : memref<400x128xf32, #tpu.memory_space<vmem>>, vector<16xf32>,
      %parallel_loop3A_79 = arith.index_cast %parallel_loop3A_52 : i32 to index
      %parallel_loop3A_80 = arith.constant 16 : index
      %parallel_loop3A_81 = tpu.vector_load %arg10[%parallel_loop3A_79, %parallel_loop3A_80] {strides = array<i32>} : memref<400x128xf32, #tpu.memory_space<vmem>>, vector<16xf32>,
      %parallel_loop3A_82 = arith.constant 0 : i32
      %parallel_loop3A_83 = arith.index_cast %parallel_loop3A_82 : i32 to index
      %parallel_loop3A_84 = arith.constant 16 : index
      %parallel_loop3A_85 = tpu.vector_load %arg11[%parallel_loop3A_83, %parallel_loop3A_84] {strides = array<i32>} : memref<2x128xf32, #tpu.memory_space<vmem>>, vector<16xf32>,
      %parallel_loop3A_86 = arith.addf %parallel_loop3A_81, %parallel_loop3A_85 : vector<16xf32>
      %parallel_loop3A_87 = arith.index_cast %parallel_loop3A_52 : i32 to index
      %parallel_loop3A_88 = arith.constant 16 : index
      %parallel_loop3A_89 = tpu.vector_load %arg10[%parallel_loop3A_87, %parallel_loop3A_88] {strides = array<i32>} : memref<400x128xf32, #tpu.memory_space<vmem>>, vector<16xf32>,
      tpu.vector_store %arg10[%parallel_loop3A_87, %parallel_loop3A_88], %parallel_loop3A_86 {strides = array<i32>} : memref<400x128xf32, #tpu.memory_space<vmem>>, vector<16xf32>,
      %parallel_loop3A_90 = arith.constant 200 : i32
      %parallel_loop3A_91 = arith.addi %parallel_loop3A_90, %parallel_loop3A_52 : i32
      %parallel_loop3A_92 = arith.index_cast %parallel_loop3A_91 : i32 to index
      %parallel_loop3A_93 = arith.constant 16 : index
      %parallel_loop3A_94 = tpu.vector_load %arg10[%parallel_loop3A_92, %parallel_loop3A_93] {strides = array<i32>} : memref<400x128xf32, #tpu.memory_space<vmem>>, vector<16xf32>,
      %parallel_loop3A_95 = arith.constant 1 : i32
      %parallel_loop3A_96 = arith.index_cast %parallel_loop3A_95 : i32 to index
      %parallel_loop3A_97 = arith.constant 16 : index
      %parallel_loop3A_98 = tpu.vector_load %arg11[%parallel_loop3A_96, %parallel_loop3A_97] {strides = array<i32>} : memref<2x128xf32, #tpu.memory_space<vmem>>, vector<16xf32>,
      %parallel_loop3A_99 = arith.addf %parallel_loop3A_94, %parallel_loop3A_98 : vector<16xf32>
      %parallel_loop3A_100 = arith.constant 200 : i32
      %parallel_loop3A_101 = arith.addi %parallel_loop3A_100, %parallel_loop3A_52 : i32
      %parallel_loop3A_102 = arith.index_cast %parallel_loop3A_101 : i32 to index
      %parallel_loop3A_103 = arith.constant 16 : index
      %parallel_loop3A_104 = tpu.vector_load %arg10[%parallel_loop3A_102, %parallel_loop3A_103] {strides = array<i32>} : memref<400x128xf32, #tpu.memory_space<vmem>>, vector<16xf32>,
      tpu.vector_store %arg10[%parallel_loop3A_102, %parallel_loop3A_103], %parallel_loop3A_99 {strides = array<i32>} : memref<400x128xf32, #tpu.memory_space<vmem>>, vector<16xf32>,
      %parallel_loop3A_105 = arith.index_cast %parallel_loop3A_52 : i32 to index
      %parallel_loop3A_106 = arith.constant 32 : index
      %parallel_loop3A_107 = tpu.vector_load %arg10[%parallel_loop3A_105, %parallel_loop3A_106] {strides = array<i32>} : memref<400x128xf32, #tpu.memory_space<vmem>>, vector<16xf32>,
      %parallel_loop3A_108 = arith.constant 0 : i32
      %parallel_loop3A_109 = arith.index_cast %parallel_loop3A_108 : i32 to index
      %parallel_loop3A_110 = arith.constant 32 : index
      %parallel_loop3A_111 = tpu.vector_load %arg11[%parallel_loop3A_109, %parallel_loop3A_110] {strides = array<i32>} : memref<2x128xf32, #tpu.memory_space<vmem>>, vector<16xf32>,
      %parallel_loop3A_112 = arith.addf %parallel_loop3A_107, %parallel_loop3A_111 : vector<16xf32>
      %parallel_loop3A_113 = arith.index_cast %parallel_loop3A_52 : i32 to index
      %parallel_loop3A_114 = arith.constant 32 : index
      %parallel_loop3A_115 = tpu.vector_load %arg10[%parallel_loop3A_113, %parallel_loop3A_114] {strides = array<i32>} : memref<400x128xf32, #tpu.memory_space<vmem>>, vector<16xf32>,
      tpu.vector_store %arg10[%parallel_loop3A_113, %parallel_loop3A_114], %parallel_loop3A_112 {strides = array<i32>} : memref<400x128xf32, #tpu.memory_space<vmem>>, vector<16xf32>,
      %parallel_loop3A_116 = arith.constant 200 : i32
      %parallel_loop3A_117 = arith.addi %parallel_loop3A_116, %parallel_loop3A_52 : i32
      %parallel_loop3A_118 = arith.index_cast %parallel_loop3A_117 : i32 to index
      %parallel_loop3A_119 = arith.constant 32 : index
      %parallel_loop3A_120 = tpu.vector_load %arg10[%parallel_loop3A_118, %parallel_loop3A_119] {strides = array<i32>} : memref<400x128xf32, #tpu.memory_space<vmem>>, vector<16xf32>,
      %parallel_loop3A_121 = arith.constant 1 : i32
      %parallel_loop3A_122 = arith.index_cast %parallel_loop3A_121 : i32 to index
      %parallel_loop3A_123 = arith.constant 32 : index
      %parallel_loop3A_124 = tpu.vector_load %arg11[%parallel_loop3A_122, %parallel_loop3A_123] {strides = array<i32>} : memref<2x128xf32, #tpu.memory_space<vmem>>, vector<16xf32>,
      %parallel_loop3A_125 = arith.addf %parallel_loop3A_120, %parallel_loop3A_124 : vector<16xf32>
      %parallel_loop3A_126 = arith.constant 200 : i32
      %parallel_loop3A_127 = arith.addi %parallel_loop3A_126, %parallel_loop3A_52 : i32
      %parallel_loop3A_128 = arith.index_cast %parallel_loop3A_127 : i32 to index
      %parallel_loop3A_129 = arith.constant 32 : index
      %parallel_loop3A_130 = tpu.vector_load %arg10[%parallel_loop3A_128, %parallel_loop3A_129] {strides = array<i32>} : memref<400x128xf32, #tpu.memory_space<vmem>>, vector<16xf32>,
      tpu.vector_store %arg10[%parallel_loop3A_128, %parallel_loop3A_129], %parallel_loop3A_125 {strides = array<i32>} : memref<400x128xf32, #tpu.memory_space<vmem>>, vector<16xf32>,
      %parallel_loop3A_131 = arith.index_cast %parallel_loop3A_52 : i32 to index
      %parallel_loop3A_132 = arith.constant 48 : index
      %parallel_loop3A_133 = tpu.vector_load %arg10[%parallel_loop3A_131, %parallel_loop3A_132] {strides = array<i32>} : memref<400x128xf32, #tpu.memory_space<vmem>>, vector<16xf32>,
      %parallel_loop3A_134 = arith.constant 0 : i32
      %parallel_loop3A_135 = arith.index_cast %parallel_loop3A_134 : i32 to index
      %parallel_loop3A_136 = arith.constant 48 : index
      %parallel_loop3A_137 = tpu.vector_load %arg11[%parallel_loop3A_135, %parallel_loop3A_136] {strides = array<i32>} : memref<2x128xf32, #tpu.memory_space<vmem>>, vector<16xf32>,
      %parallel_loop3A_138 = arith.addf %parallel_loop3A_133, %parallel_loop3A_137 : vector<16xf32>
      %parallel_loop3A_139 = arith.index_cast %parallel_loop3A_52 : i32 to index
      %parallel_loop3A_140 = arith.constant 48 : index
      %parallel_loop3A_141 = tpu.vector_load %arg10[%parallel_loop3A_139, %parallel_loop3A_140] {strides = array<i32>} : memref<400x128xf32, #tpu.memory_space<vmem>>, vector<16xf32>,
      tpu.vector_store %arg10[%parallel_loop3A_139, %parallel_loop3A_140], %parallel_loop3A_138 {strides = array<i32>} : memref<400x128xf32, #tpu.memory_space<vmem>>, vector<16xf32>,
      %parallel_loop3A_142 = arith.constant 200 : i32
      %parallel_loop3A_143 = arith.addi %parallel_loop3A_142, %parallel_loop3A_52 : i32
      %parallel_loop3A_144 = arith.index_cast %parallel_loop3A_143 : i32 to index
      %parallel_loop3A_145 = arith.constant 48 : index
      %parallel_loop3A_146 = tpu.vector_load %arg10[%parallel_loop3A_144, %parallel_loop3A_145] {strides = array<i32>} : memref<400x128xf32, #tpu.memory_space<vmem>>, vector<16xf32>,
      %parallel_loop3A_147 = arith.constant 1 : i32
      %parallel_loop3A_148 = arith.index_cast %parallel_loop3A_147 : i32 to index
      %parallel_loop3A_149 = arith.constant 48 : index
      %parallel_loop3A_150 = tpu.vector_load %arg11[%parallel_loop3A_148, %parallel_loop3A_149] {strides = array<i32>} : memref<2x128xf32, #tpu.memory_space<vmem>>, vector<16xf32>,
      %parallel_loop3A_151 = arith.addf %parallel_loop3A_146, %parallel_loop3A_150 : vector<16xf32>
      %parallel_loop3A_152 = arith.constant 200 : i32
      %parallel_loop3A_153 = arith.addi %parallel_loop3A_152, %parallel_loop3A_52 : i32
      %parallel_loop3A_154 = arith.index_cast %parallel_loop3A_153 : i32 to index
      %parallel_loop3A_155 = arith.constant 48 : index
      %parallel_loop3A_156 = tpu.vector_load %arg10[%parallel_loop3A_154, %parallel_loop3A_155] {strides = array<i32>} : memref<400x128xf32, #tpu.memory_space<vmem>>, vector<16xf32>,
      tpu.vector_store %arg10[%parallel_loop3A_154, %parallel_loop3A_155], %parallel_loop3A_151 {strides = array<i32>} : memref<400x128xf32, #tpu.memory_space<vmem>>, vector<16xf32>,
      %parallel_loop3A_157 = arith.index_cast %parallel_loop3A_52 : i32 to index
      %parallel_loop3A_158 = arith.constant 64 : index
      %parallel_loop3A_159 = tpu.vector_load %arg10[%parallel_loop3A_157, %parallel_loop3A_158] {strides = array<i32>} : memref<400x128xf32, #tpu.memory_space<vmem>>, vector<16xf32>,
      %parallel_loop3A_160 = arith.constant 0 : i32
      %parallel_loop3A_161 = arith.index_cast %parallel_loop3A_160 : i32 to index
      %parallel_loop3A_162 = arith.constant 64 : index
      %parallel_loop3A_163 = tpu.vector_load %arg11[%parallel_loop3A_161, %parallel_loop3A_162] {strides = array<i32>} : memref<2x128xf32, #tpu.memory_space<vmem>>, vector<16xf32>,
      %parallel_loop3A_164 = arith.addf %parallel_loop3A_159, %parallel_loop3A_163 : vector<16xf32>
      %parallel_loop3A_165 = arith.index_cast %parallel_loop3A_52 : i32 to index
      %parallel_loop3A_166 = arith.constant 64 : index
      %parallel_loop3A_167 = tpu.vector_load %arg10[%parallel_loop3A_165, %parallel_loop3A_166] {strides = array<i32>} : memref<400x128xf32, #tpu.memory_space<vmem>>, vector<16xf32>,
      tpu.vector_store %arg10[%parallel_loop3A_165, %parallel_loop3A_166], %parallel_loop3A_164 {strides = array<i32>} : memref<400x128xf32, #tpu.memory_space<vmem>>, vector<16xf32>,
      %parallel_loop3A_168 = arith.constant 200 : i32
      %parallel_loop3A_169 = arith.addi %parallel_loop3A_168, %parallel_loop3A_52 : i32
      %parallel_loop3A_170 = arith.index_cast %parallel_loop3A_169 : i32 to index
      %parallel_loop3A_171 = arith.constant 64 : index
      %parallel_loop3A_172 = tpu.vector_load %arg10[%parallel_loop3A_170, %parallel_loop3A_171] {strides = array<i32>} : memref<400x128xf32, #tpu.memory_space<vmem>>, vector<16xf32>,
      %parallel_loop3A_173 = arith.constant 1 : i32
      %parallel_loop3A_174 = arith.index_cast %parallel_loop3A_173 : i32 to index
      %parallel_loop3A_175 = arith.constant 64 : index
      %parallel_loop3A_176 = tpu.vector_load %arg11[%parallel_loop3A_174, %parallel_loop3A_175] {strides = array<i32>} : memref<2x128xf32, #tpu.memory_space<vmem>>, vector<16xf32>,
      %parallel_loop3A_177 = arith.addf %parallel_loop3A_172, %parallel_loop3A_176 : vector<16xf32>
      %parallel_loop3A_178 = arith.constant 200 : i32
      %parallel_loop3A_179 = arith.addi %parallel_loop3A_178, %parallel_loop3A_52 : i32
      %parallel_loop3A_180 = arith.index_cast %parallel_loop3A_179 : i32 to index
      %parallel_loop3A_181 = arith.constant 64 : index
      %parallel_loop3A_182 = tpu.vector_load %arg10[%parallel_loop3A_180, %parallel_loop3A_181] {strides = array<i32>} : memref<400x128xf32, #tpu.memory_space<vmem>>, vector<16xf32>,
      tpu.vector_store %arg10[%parallel_loop3A_180, %parallel_loop3A_181], %parallel_loop3A_177 {strides = array<i32>} : memref<400x128xf32, #tpu.memory_space<vmem>>, vector<16xf32>,
      %parallel_loop3A_183 = arith.index_cast %parallel_loop3A_52 : i32 to index
      %parallel_loop3A_184 = arith.constant 80 : index
      %parallel_loop3A_185 = tpu.vector_load %arg10[%parallel_loop3A_183, %parallel_loop3A_184] {strides = array<i32>} : memref<400x128xf32, #tpu.memory_space<vmem>>, vector<16xf32>,
      %parallel_loop3A_186 = arith.constant 0 : i32
      %parallel_loop3A_187 = arith.index_cast %parallel_loop3A_186 : i32 to index
      %parallel_loop3A_188 = arith.constant 80 : index
      %parallel_loop3A_189 = tpu.vector_load %arg11[%parallel_loop3A_187, %parallel_loop3A_188] {strides = array<i32>} : memref<2x128xf32, #tpu.memory_space<vmem>>, vector<16xf32>,
      %parallel_loop3A_190 = arith.addf %parallel_loop3A_185, %parallel_loop3A_189 : vector<16xf32>
      %parallel_loop3A_191 = arith.index_cast %parallel_loop3A_52 : i32 to index
      %parallel_loop3A_192 = arith.constant 80 : index
      %parallel_loop3A_193 = tpu.vector_load %arg10[%parallel_loop3A_191, %parallel_loop3A_192] {strides = array<i32>} : memref<400x128xf32, #tpu.memory_space<vmem>>, vector<16xf32>,
      tpu.vector_store %arg10[%parallel_loop3A_191, %parallel_loop3A_192], %parallel_loop3A_190 {strides = array<i32>} : memref<400x128xf32, #tpu.memory_space<vmem>>, vector<16xf32>,
      %parallel_loop3A_194 = arith.constant 200 : i32
      %parallel_loop3A_195 = arith.addi %parallel_loop3A_194, %parallel_loop3A_52 : i32
      %parallel_loop3A_196 = arith.index_cast %parallel_loop3A_195 : i32 to index
      %parallel_loop3A_197 = arith.constant 80 : index
      %parallel_loop3A_198 = tpu.vector_load %arg10[%parallel_loop3A_196, %parallel_loop3A_197] {strides = array<i32>} : memref<400x128xf32, #tpu.memory_space<vmem>>, vector<16xf32>,
      %parallel_loop3A_199 = arith.constant 1 : i32
      %parallel_loop3A_200 = arith.index_cast %parallel_loop3A_199 : i32 to index
      %parallel_loop3A_201 = arith.constant 80 : index
      %parallel_loop3A_202 = tpu.vector_load %arg11[%parallel_loop3A_200, %parallel_loop3A_201] {strides = array<i32>} : memref<2x128xf32, #tpu.memory_space<vmem>>, vector<16xf32>,
      %parallel_loop3A_203 = arith.addf %parallel_loop3A_198, %parallel_loop3A_202 : vector<16xf32>
      %parallel_loop3A_204 = arith.constant 200 : i32
      %parallel_loop3A_205 = arith.addi %parallel_loop3A_204, %parallel_loop3A_52 : i32
      %parallel_loop3A_206 = arith.index_cast %parallel_loop3A_205 : i32 to index
      %parallel_loop3A_207 = arith.constant 80 : index
      %parallel_loop3A_208 = tpu.vector_load %arg10[%parallel_loop3A_206, %parallel_loop3A_207] {strides = array<i32>} : memref<400x128xf32, #tpu.memory_space<vmem>>, vector<16xf32>,
      tpu.vector_store %arg10[%parallel_loop3A_206, %parallel_loop3A_207], %parallel_loop3A_203 {strides = array<i32>} : memref<400x128xf32, #tpu.memory_space<vmem>>, vector<16xf32>,
      %parallel_loop3A_209 = arith.index_cast %parallel_loop3A_52 : i32 to index
      %parallel_loop3A_210 = arith.constant 96 : index
      %parallel_loop3A_211 = tpu.vector_load %arg10[%parallel_loop3A_209, %parallel_loop3A_210] {strides = array<i32>} : memref<400x128xf32, #tpu.memory_space<vmem>>, vector<16xf32>,
      %parallel_loop3A_212 = arith.constant 0 : i32
      %parallel_loop3A_213 = arith.index_cast %parallel_loop3A_212 : i32 to index
      %parallel_loop3A_214 = arith.constant 96 : index
      %parallel_loop3A_215 = tpu.vector_load %arg11[%parallel_loop3A_213, %parallel_loop3A_214] {strides = array<i32>} : memref<2x128xf32, #tpu.memory_space<vmem>>, vector<16xf32>,
      %parallel_loop3A_216 = arith.addf %parallel_loop3A_211, %parallel_loop3A_215 : vector<16xf32>
      %parallel_loop3A_217 = arith.index_cast %parallel_loop3A_52 : i32 to index
      %parallel_loop3A_218 = arith.constant 96 : index
      %parallel_loop3A_219 = tpu.vector_load %arg10[%parallel_loop3A_217, %parallel_loop3A_218] {strides = array<i32>} : memref<400x128xf32, #tpu.memory_space<vmem>>, vector<16xf32>,
      tpu.vector_store %arg10[%parallel_loop3A_217, %parallel_loop3A_218], %parallel_loop3A_216 {strides = array<i32>} : memref<400x128xf32, #tpu.memory_space<vmem>>, vector<16xf32>,
      %parallel_loop3A_220 = arith.constant 200 : i32
      %parallel_loop3A_221 = arith.addi %parallel_loop3A_220, %parallel_loop3A_52 : i32
      %parallel_loop3A_222 = arith.index_cast %parallel_loop3A_221 : i32 to index
      %parallel_loop3A_223 = arith.constant 96 : index
      %parallel_loop3A_224 = tpu.vector_load %arg10[%parallel_loop3A_222, %parallel_loop3A_223] {strides = array<i32>} : memref<400x128xf32, #tpu.memory_space<vmem>>, vector<16xf32>,
      %parallel_loop3A_225 = arith.constant 1 : i32
      %parallel_loop3A_226 = arith.index_cast %parallel_loop3A_225 : i32 to index
      %parallel_loop3A_227 = arith.constant 96 : index
      %parallel_loop3A_228 = tpu.vector_load %arg11[%parallel_loop3A_226, %parallel_loop3A_227] {strides = array<i32>} : memref<2x128xf32, #tpu.memory_space<vmem>>, vector<16xf32>,
      %parallel_loop3A_229 = arith.addf %parallel_loop3A_224, %parallel_loop3A_228 : vector<16xf32>
      %parallel_loop3A_230 = arith.constant 200 : i32
      %parallel_loop3A_231 = arith.addi %parallel_loop3A_230, %parallel_loop3A_52 : i32
      %parallel_loop3A_232 = arith.index_cast %parallel_loop3A_231 : i32 to index
      %parallel_loop3A_233 = arith.constant 96 : index
      %parallel_loop3A_234 = tpu.vector_load %arg10[%parallel_loop3A_232, %parallel_loop3A_233] {strides = array<i32>} : memref<400x128xf32, #tpu.memory_space<vmem>>, vector<16xf32>,
      tpu.vector_store %arg10[%parallel_loop3A_232, %parallel_loop3A_233], %parallel_loop3A_229 {strides = array<i32>} : memref<400x128xf32, #tpu.memory_space<vmem>>, vector<16xf32>,
      %parallel_loop3A_235 = arith.index_cast %parallel_loop3A_52 : i32 to index
      %parallel_loop3A_236 = arith.constant 112 : index
      %parallel_loop3A_237 = tpu.vector_load %arg10[%parallel_loop3A_235, %parallel_loop3A_236] {strides = array<i32>} : memref<400x128xf32, #tpu.memory_space<vmem>>, vector<16xf32>,
      %parallel_loop3A_238 = arith.constant 0 : i32
      %parallel_loop3A_239 = arith.index_cast %parallel_loop3A_238 : i32 to index
      %parallel_loop3A_240 = arith.constant 112 : index
      %parallel_loop3A_241 = tpu.vector_load %arg11[%parallel_loop3A_239, %parallel_loop3A_240] {strides = array<i32>} : memref<2x128xf32, #tpu.memory_space<vmem>>, vector<16xf32>,
      %parallel_loop3A_242 = arith.addf %parallel_loop3A_237, %parallel_loop3A_241 : vector<16xf32>
      %parallel_loop3A_243 = arith.index_cast %parallel_loop3A_52 : i32 to index
      %parallel_loop3A_244 = arith.constant 112 : index
      %parallel_loop3A_245 = tpu.vector_load %arg10[%parallel_loop3A_243, %parallel_loop3A_244] {strides = array<i32>} : memref<400x128xf32, #tpu.memory_space<vmem>>, vector<16xf32>,
      tpu.vector_store %arg10[%parallel_loop3A_243, %parallel_loop3A_244], %parallel_loop3A_242 {strides = array<i32>} : memref<400x128xf32, #tpu.memory_space<vmem>>, vector<16xf32>,
      %parallel_loop3A_246 = arith.constant 200 : i32
      %parallel_loop3A_247 = arith.addi %parallel_loop3A_246, %parallel_loop3A_52 : i32
      %parallel_loop3A_248 = arith.index_cast %parallel_loop3A_247 : i32 to index
      %parallel_loop3A_249 = arith.constant 112 : index
      %parallel_loop3A_250 = tpu.vector_load %arg10[%parallel_loop3A_248, %parallel_loop3A_249] {strides = array<i32>} : memref<400x128xf32, #tpu.memory_space<vmem>>, vector<16xf32>,
      %parallel_loop3A_251 = arith.constant 1 : i32
      %parallel_loop3A_252 = arith.index_cast %parallel_loop3A_251 : i32 to index
      %parallel_loop3A_253 = arith.constant 112 : index
      %parallel_loop3A_254 = tpu.vector_load %arg11[%parallel_loop3A_252, %parallel_loop3A_253] {strides = array<i32>} : memref<2x128xf32, #tpu.memory_space<vmem>>, vector<16xf32>,
      %parallel_loop3A_255 = arith.addf %parallel_loop3A_250, %parallel_loop3A_254 : vector<16xf32>
      %parallel_loop3A_256 = arith.constant 200 : i32
      %parallel_loop3A_257 = arith.addi %parallel_loop3A_256, %parallel_loop3A_52 : i32
      %parallel_loop3A_258 = arith.index_cast %parallel_loop3A_257 : i32 to index
      %parallel_loop3A_259 = arith.constant 112 : index
      %parallel_loop3A_260 = tpu.vector_load %arg10[%parallel_loop3A_258, %parallel_loop3A_259] {strides = array<i32>} : memref<400x128xf32, #tpu.memory_space<vmem>>, vector<16xf32>,
      tpu.vector_store %arg10[%parallel_loop3A_258, %parallel_loop3A_259], %parallel_loop3A_255 {strides = array<i32>} : memref<400x128xf32, #tpu.memory_space<vmem>>, vector<16xf32>,
    } {sc.loop_unroll_factor = 2 : i64, sc.parallel_access}
    %iota3A = tpu.iota {dimensions = array<i32: 0>} : vector<16xi32>
    %xor3A = arith.constant 1 : i32
    %xor3A_5 = vector.broadcast %xor3A : i32 to vector<16xi32>
    %xor3A_6 = arith.xori %iota3A, %xor3A_5 : vector<16xi32>
    %xor3A_7 = arith.constant 2 : i32
    %xor3A_8 = vector.broadcast %xor3A_7 : i32 to vector<16xi32>
    %xor3A_9 = arith.xori %iota3A, %xor3A_8 : vector<16xi32>
    %xor3A_10 = arith.constant 4 : i32
    %xor3A_11 = vector.broadcast %xor3A_10 : i32 to vector<16xi32>
    %xor3A_12 = arith.xori %iota3A, %xor3A_11 : vector<16xi32>
    %xor3A_13 = arith.constant 8 : i32
    %xor3A_14 = vector.broadcast %xor3A_13 : i32 to vector<16xi32>
    %xor3A_15 = arith.xori %iota3A, %xor3A_14 : vector<16xi32>
    %get3A = arith.constant 0 : index
    %get3A_16 = tpu.vector_load %arg15[%get3A] {strides = array<i32>} : memref<128xf32, #tpu.memory_space<vmem>>, vector<16xf32>,
    %get3A_17 = arith.constant 16 : index
    %get3A_18 = tpu.vector_load %arg15[%get3A_17] {strides = array<i32>} : memref<128xf32, #tpu.memory_space<vmem>>, vector<16xf32>,
    %get3A_19 = arith.constant 32 : index
    %get3A_20 = tpu.vector_load %arg15[%get3A_19] {strides = array<i32>} : memref<128xf32, #tpu.memory_space<vmem>>, vector<16xf32>,
    %get3A_21 = arith.constant 48 : index
    %get3A_22 = tpu.vector_load %arg15[%get3A_21] {strides = array<i32>} : memref<128xf32, #tpu.memory_space<vmem>>, vector<16xf32>,
    %get3A_23 = arith.constant 64 : index
    %get3A_24 = tpu.vector_load %arg15[%get3A_23] {strides = array<i32>} : memref<128xf32, #tpu.memory_space<vmem>>, vector<16xf32>,
    %get3A_25 = arith.constant 80 : index
    %get3A_26 = tpu.vector_load %arg15[%get3A_25] {strides = array<i32>} : memref<128xf32, #tpu.memory_space<vmem>>, vector<16xf32>,
    %get3A_27 = arith.constant 96 : index
    %get3A_28 = tpu.vector_load %arg15[%get3A_27] {strides = array<i32>} : memref<128xf32, #tpu.memory_space<vmem>>, vector<16xf32>,
    %get3A_29 = arith.constant 112 : index
    %get3A_30 = tpu.vector_load %arg15[%get3A_29] {strides = array<i32>} : memref<128xf32, #tpu.memory_space<vmem>>, vector<16xf32>,
    %get3A_31 = arith.constant 0 : index
    %get3A_32 = tpu.vector_load %arg16[%get3A_31] {strides = array<i32>} : memref<128xf32, #tpu.memory_space<vmem>>, vector<16xf32>,
    %get3A_33 = arith.constant 16 : index
    %get3A_34 = tpu.vector_load %arg16[%get3A_33] {strides = array<i32>} : memref<128xf32, #tpu.memory_space<vmem>>, vector<16xf32>,
    %get3A_35 = arith.constant 32 : index
    %get3A_36 = tpu.vector_load %arg16[%get3A_35] {strides = array<i32>} : memref<128xf32, #tpu.memory_space<vmem>>, vector<16xf32>,
    %get3A_37 = arith.constant 48 : index
    %get3A_38 = tpu.vector_load %arg16[%get3A_37] {strides = array<i32>} : memref<128xf32, #tpu.memory_space<vmem>>, vector<16xf32>,
    %get3A_39 = arith.constant 64 : index
    %get3A_40 = tpu.vector_load %arg16[%get3A_39] {strides = array<i32>} : memref<128xf32, #tpu.memory_space<vmem>>, vector<16xf32>,
    %get3A_41 = arith.constant 80 : index
    %get3A_42 = tpu.vector_load %arg16[%get3A_41] {strides = array<i32>} : memref<128xf32, #tpu.memory_space<vmem>>, vector<16xf32>,
    %get3A_43 = arith.constant 96 : index
    %get3A_44 = tpu.vector_load %arg16[%get3A_43] {strides = array<i32>} : memref<128xf32, #tpu.memory_space<vmem>>, vector<16xf32>,
    %get3A_45 = arith.constant 112 : index
    %get3A_46 = tpu.vector_load %arg16[%get3A_45] {strides = array<i32>} : memref<128xf32, #tpu.memory_space<vmem>>, vector<16xf32>,
    %scan3A = arith.constant 0 : i32
    %scan3A_47 = arith.constant 0 : i32
    %scan3A_48 = arith.constant 50 : i32
    %scan3A_49 = arith.addi %scan3A_47, %scan3A_48 : i32
    %scan3A_50 = arith.constant 1 : i32
    scf.for %scan3A_52 = %scan3A_47 to %scan3A_49 step %scan3A_50  : i32 {
      %mul3A_53 = arith.constant 128 : i32
      %mul3A_54 = arith.muli %scan3A_52, %mul3A_53 : i32
      %dma_start3A = tpu.memref_slice %arg13[%mul3A_54] : memref<6400xi32, #tpu.memory_space<vmem>> -> memref<128xi32, #tpu.memory_space<vmem>>
      %dma_start3A_55 = arith.constant 0 : i32
      %dma_start3A_56 = arith.constant 0 : i32
      %dma_start3A_57 = tpu.memref_slice %arg4[%dma_start3A_55, %dma_start3A_56] : memref<100000x128xf32, #tpu.memory_space<hbm>> -> memref<100000x128xf32, #tpu.memory_space<hbm>>
      tpu.enqueue_indirect_dma source(%dma_start3A_57 : memref<100000x128xf32, #tpu.memory_space<hbm>>) target(%arg12 : memref<128x128xf32, #tpu.memory_space<vmem>>) offsets(%dma_start3A : memref<128xi32, #tpu.memory_space<vmem>>) semaphore(%arg17 : memref<!tpu.dma_semaphore, #tpu.memory_space<semaphore_mem>>)
      %dma_wait3A = tpu.memref_slice %arg13[%mul3A_54] : memref<6400xi32, #tpu.memory_space<vmem>> -> memref<128xi32, #tpu.memory_space<vmem>>
      %dma_wait3A_58 = arith.constant 0 : i32
      %dma_wait3A_59 = arith.constant 0 : i32
      %dma_wait3A_60 = tpu.memref_slice %arg4[%dma_wait3A_58, %dma_wait3A_59] : memref<100000x128xf32, #tpu.memory_space<hbm>> -> memref<100000x128xf32, #tpu.memory_space<hbm>>
      tpu.wait_indirect_dma semaphore(%arg17 : memref<!tpu.dma_semaphore, #tpu.memory_space<semaphore_mem>>) src(%dma_wait3A_60 : memref<100000x128xf32, #tpu.memory_space<hbm>>) dst(%arg12 : memref<128x128xf32, #tpu.memory_space<vmem>>)
      %add3A_61 = arith.addi %mul3A_2, %mul3A_54 : i32
      %rem3A = arith.constant 200 : i32
      %rem3A_62 = arith.remsi %add3A_61, %rem3A : i32
      %parallel_loop3A_63 = arith.constant 0 : i32
      %parallel_loop3A_64 = arith.constant 128 : i32
      %parallel_loop3A_65 = arith.constant 1 : i32
      scf.for %parallel_loop3A_67 = %parallel_loop3A_63 to %parallel_loop3A_64 step %parallel_loop3A_65  : i32 {
        %parallel_loop3A_68 = arith.addi %mul3A_54, %parallel_loop3A_67 : i32
        %parallel_loop3A_69 = vector.broadcast %parallel_loop3A_68 : i32 to vector<16xi32>
        %parallel_loop3A_70 = tpu.vector_load_idx %arg14[%parallel_loop3A_69] : memref<6400xi32, #tpu.memory_space<vmem>>[vector<16xi32>], vector<16xi32>,
        %parallel_loop3A_71 = arith.addi %rem3A_62, %parallel_loop3A_67 : i32
        %parallel_loop3A_72 = arith.constant 200 : i32
        %parallel_loop3A_73 = arith.remsi %parallel_loop3A_71, %parallel_loop3A_72 : i32
        %parallel_loop3A_74 = arith.constant 200 : i32
        %parallel_loop3A_75 = vector.broadcast %parallel_loop3A_74 : i32 to vector<16xi32>
        %parallel_loop3A_76 = arith.muli %parallel_loop3A_70, %parallel_loop3A_75 : vector<16xi32>
        %parallel_loop3A_77 = vector.broadcast %parallel_loop3A_73 : i32 to vector<16xi32>
        %parallel_loop3A_78 = arith.addi %parallel_loop3A_76, %parallel_loop3A_77 : vector<16xi32>
        %parallel_loop3A_79 = arith.constant 0 : i32
        %parallel_loop3A_80 = vector.broadcast %parallel_loop3A_79 : i32 to vector<16xi32>
        %parallel_loop3A_81 = arith.addi %iota3A, %parallel_loop3A_80 : vector<16xi32>
        %parallel_loop3A_82 = tpu.vector_load_idx %arg10[%parallel_loop3A_78, %parallel_loop3A_81] : memref<400x128xf32, #tpu.memory_space<vmem>>[vector<16xi32>, vector<16xi32>], vector<16xf32>,
        %parallel_loop3A_83 = arith.index_cast %parallel_loop3A_67 : i32 to index
        %parallel_loop3A_84 = arith.constant 0 : index
        %parallel_loop3A_85 = tpu.vector_load %arg12[%parallel_loop3A_83, %parallel_loop3A_84] {strides = array<i32>} : memref<128x128xf32, #tpu.memory_space<vmem>>, vector<16xf32>,
        %parallel_loop3A_86 = arith.addf %parallel_loop3A_85, %parallel_loop3A_82 : vector<16xf32>
        %parallel_loop3A_87 = arith.constant 16 : i32
        %parallel_loop3A_88 = vector.broadcast %parallel_loop3A_87 : i32 to vector<16xi32>
        %parallel_loop3A_89 = arith.addi %iota3A, %parallel_loop3A_88 : vector<16xi32>
        %parallel_loop3A_90 = tpu.vector_load_idx %arg10[%parallel_loop3A_78, %parallel_loop3A_89] : memref<400x128xf32, #tpu.memory_space<vmem>>[vector<16xi32>, vector<16xi32>], vector<16xf32>,
        %parallel_loop3A_91 = arith.index_cast %parallel_loop3A_67 : i32 to index
        %parallel_loop3A_92 = arith.constant 16 : index
        %parallel_loop3A_93 = tpu.vector_load %arg12[%parallel_loop3A_91, %parallel_loop3A_92] {strides = array<i32>} : memref<128x128xf32, #tpu.memory_space<vmem>>, vector<16xf32>,
        %parallel_loop3A_94 = arith.addf %parallel_loop3A_93, %parallel_loop3A_90 : vector<16xf32>
        %parallel_loop3A_95 = arith.constant 32 : i32
        %parallel_loop3A_96 = vector.broadcast %parallel_loop3A_95 : i32 to vector<16xi32>
        %parallel_loop3A_97 = arith.addi %iota3A, %parallel_loop3A_96 : vector<16xi32>
        %parallel_loop3A_98 = tpu.vector_load_idx %arg10[%parallel_loop3A_78, %parallel_loop3A_97] : memref<400x128xf32, #tpu.memory_space<vmem>>[vector<16xi32>, vector<16xi32>], vector<16xf32>,
        %parallel_loop3A_99 = arith.index_cast %parallel_loop3A_67 : i32 to index
        %parallel_loop3A_100 = arith.constant 32 : index
        %parallel_loop3A_101 = tpu.vector_load %arg12[%parallel_loop3A_99, %parallel_loop3A_100] {strides = array<i32>} : memref<128x128xf32, #tpu.memory_space<vmem>>, vector<16xf32>,
        %parallel_loop3A_102 = arith.addf %parallel_loop3A_101, %parallel_loop3A_98 : vector<16xf32>
        %parallel_loop3A_103 = arith.constant 48 : i32
        %parallel_loop3A_104 = vector.broadcast %parallel_loop3A_103 : i32 to vector<16xi32>
        %parallel_loop3A_105 = arith.addi %iota3A, %parallel_loop3A_104 : vector<16xi32>
        %parallel_loop3A_106 = tpu.vector_load_idx %arg10[%parallel_loop3A_78, %parallel_loop3A_105] : memref<400x128xf32, #tpu.memory_space<vmem>>[vector<16xi32>, vector<16xi32>], vector<16xf32>,
        %parallel_loop3A_107 = arith.index_cast %parallel_loop3A_67 : i32 to index
        %parallel_loop3A_108 = arith.constant 48 : index
        %parallel_loop3A_109 = tpu.vector_load %arg12[%parallel_loop3A_107, %parallel_loop3A_108] {strides = array<i32>} : memref<128x128xf32, #tpu.memory_space<vmem>>, vector<16xf32>,
        %parallel_loop3A_110 = arith.addf %parallel_loop3A_109, %parallel_loop3A_106 : vector<16xf32>
        %parallel_loop3A_111 = arith.constant 64 : i32
        %parallel_loop3A_112 = vector.broadcast %parallel_loop3A_111 : i32 to vector<16xi32>
        %parallel_loop3A_113 = arith.addi %iota3A, %parallel_loop3A_112 : vector<16xi32>
        %parallel_loop3A_114 = tpu.vector_load_idx %arg10[%parallel_loop3A_78, %parallel_loop3A_113] : memref<400x128xf32, #tpu.memory_space<vmem>>[vector<16xi32>, vector<16xi32>], vector<16xf32>,
        %parallel_loop3A_115 = arith.index_cast %parallel_loop3A_67 : i32 to index
        %parallel_loop3A_116 = arith.constant 64 : index
        %parallel_loop3A_117 = tpu.vector_load %arg12[%parallel_loop3A_115, %parallel_loop3A_116] {strides = array<i32>} : memref<128x128xf32, #tpu.memory_space<vmem>>, vector<16xf32>,
        %parallel_loop3A_118 = arith.addf %parallel_loop3A_117, %parallel_loop3A_114 : vector<16xf32>
        %parallel_loop3A_119 = arith.constant 80 : i32
        %parallel_loop3A_120 = vector.broadcast %parallel_loop3A_119 : i32 to vector<16xi32>
        %parallel_loop3A_121 = arith.addi %iota3A, %parallel_loop3A_120 : vector<16xi32>
        %parallel_loop3A_122 = tpu.vector_load_idx %arg10[%parallel_loop3A_78, %parallel_loop3A_121] : memref<400x128xf32, #tpu.memory_space<vmem>>[vector<16xi32>, vector<16xi32>], vector<16xf32>,
        %parallel_loop3A_123 = arith.index_cast %parallel_loop3A_67 : i32 to index
        %parallel_loop3A_124 = arith.constant 80 : index
        %parallel_loop3A_125 = tpu.vector_load %arg12[%parallel_loop3A_123, %parallel_loop3A_124] {strides = array<i32>} : memref<128x128xf32, #tpu.memory_space<vmem>>, vector<16xf32>,
        %parallel_loop3A_126 = arith.addf %parallel_loop3A_125, %parallel_loop3A_122 : vector<16xf32>
        %parallel_loop3A_127 = arith.constant 96 : i32
        %parallel_loop3A_128 = vector.broadcast %parallel_loop3A_127 : i32 to vector<16xi32>
        %parallel_loop3A_129 = arith.addi %iota3A, %parallel_loop3A_128 : vector<16xi32>
        %parallel_loop3A_130 = tpu.vector_load_idx %arg10[%parallel_loop3A_78, %parallel_loop3A_129] : memref<400x128xf32, #tpu.memory_space<vmem>>[vector<16xi32>, vector<16xi32>], vector<16xf32>,
        %parallel_loop3A_131 = arith.index_cast %parallel_loop3A_67 : i32 to index
        %parallel_loop3A_132 = arith.constant 96 : index
        %parallel_loop3A_133 = tpu.vector_load %arg12[%parallel_loop3A_131, %parallel_loop3A_132] {strides = array<i32>} : memref<128x128xf32, #tpu.memory_space<vmem>>, vector<16xf32>,
        %parallel_loop3A_134 = arith.addf %parallel_loop3A_133, %parallel_loop3A_130 : vector<16xf32>
        %parallel_loop3A_135 = arith.constant 112 : i32
        %parallel_loop3A_136 = vector.broadcast %parallel_loop3A_135 : i32 to vector<16xi32>
        %parallel_loop3A_137 = arith.addi %iota3A, %parallel_loop3A_136 : vector<16xi32>
        %parallel_loop3A_138 = tpu.vector_load_idx %arg10[%parallel_loop3A_78, %parallel_loop3A_137] : memref<400x128xf32, #tpu.memory_space<vmem>>[vector<16xi32>, vector<16xi32>], vector<16xf32>,
        %parallel_loop3A_139 = arith.index_cast %parallel_loop3A_67 : i32 to index
        %parallel_loop3A_140 = arith.constant 112 : index
        %parallel_loop3A_141 = tpu.vector_load %arg12[%parallel_loop3A_139, %parallel_loop3A_140] {strides = array<i32>} : memref<128x128xf32, #tpu.memory_space<vmem>>, vector<16xf32>,
        %parallel_loop3A_142 = arith.addf %parallel_loop3A_141, %parallel_loop3A_138 : vector<16xf32>
        %parallel_loop3A_143 = arith.addf %parallel_loop3A_86, %parallel_loop3A_94 : vector<16xf32>
        %parallel_loop3A_144 = arith.addf %parallel_loop3A_143, %parallel_loop3A_102 : vector<16xf32>
        %parallel_loop3A_145 = arith.addf %parallel_loop3A_144, %parallel_loop3A_110 : vector<16xf32>
        %parallel_loop3A_146 = arith.addf %parallel_loop3A_145, %parallel_loop3A_118 : vector<16xf32>
        %parallel_loop3A_147 = arith.addf %parallel_loop3A_146, %parallel_loop3A_126 : vector<16xf32>
        %parallel_loop3A_148 = arith.addf %parallel_loop3A_147, %parallel_loop3A_134 : vector<16xf32>
        %parallel_loop3A_149 = arith.addf %parallel_loop3A_148, %parallel_loop3A_142 : vector<16xf32>
        %parallel_loop3A_150 = arith.mulf %parallel_loop3A_86, %parallel_loop3A_86 : vector<16xf32>
        %parallel_loop3A_151 = arith.mulf %parallel_loop3A_94, %parallel_loop3A_94 : vector<16xf32>
        %parallel_loop3A_152 = arith.addf %parallel_loop3A_150, %parallel_loop3A_151 : vector<16xf32>
        %parallel_loop3A_153 = arith.mulf %parallel_loop3A_102, %parallel_loop3A_102 : vector<16xf32>
        %parallel_loop3A_154 = arith.addf %parallel_loop3A_152, %parallel_loop3A_153 : vector<16xf32>
        %parallel_loop3A_155 = arith.mulf %parallel_loop3A_110, %parallel_loop3A_110 : vector<16xf32>
        %parallel_loop3A_156 = arith.addf %parallel_loop3A_154, %parallel_loop3A_155 : vector<16xf32>
        %parallel_loop3A_157 = arith.mulf %parallel_loop3A_118, %parallel_loop3A_118 : vector<16xf32>
        %parallel_loop3A_158 = arith.addf %parallel_loop3A_156, %parallel_loop3A_157 : vector<16xf32>
        %parallel_loop3A_159 = arith.mulf %parallel_loop3A_126, %parallel_loop3A_126 : vector<16xf32>
        %parallel_loop3A_160 = arith.addf %parallel_loop3A_158, %parallel_loop3A_159 : vector<16xf32>
        %parallel_loop3A_161 = arith.mulf %parallel_loop3A_134, %parallel_loop3A_134 : vector<16xf32>
        %parallel_loop3A_162 = arith.addf %parallel_loop3A_160, %parallel_loop3A_161 : vector<16xf32>
        %parallel_loop3A_163 = arith.mulf %parallel_loop3A_142, %parallel_loop3A_142 : vector<16xf32>
        %parallel_loop3A_164 = arith.addf %parallel_loop3A_162, %parallel_loop3A_163 : vector<16xf32>
        %parallel_loop3A_165 = vector.shape_cast %xor3A_6 : vector<16xi32> to vector<16x1xi32>
        %parallel_loop3A_166 = vector.shape_cast %parallel_loop3A_165 : vector<16x1xi32> to vector<16xi32>
        %parallel_loop3A_167 = tpu.dynamic_gather %parallel_loop3A_149[%parallel_loop3A_166] in [0] : vector<16xf32>, vector<16xi32> -> vector<16xf32>
        %parallel_loop3A_168 = arith.addf %parallel_loop3A_149, %parallel_loop3A_167 : vector<16xf32>
        %parallel_loop3A_169 = vector.shape_cast %xor3A_9 : vector<16xi32> to vector<16x1xi32>
        %parallel_loop3A_170 = vector.shape_cast %parallel_loop3A_169 : vector<16x1xi32> to vector<16xi32>
        %parallel_loop3A_171 = tpu.dynamic_gather %parallel_loop3A_168[%parallel_loop3A_170] in [0] : vector<16xf32>, vector<16xi32> -> vector<16xf32>
        %parallel_loop3A_172 = arith.addf %parallel_loop3A_168, %parallel_loop3A_171 : vector<16xf32>
        %parallel_loop3A_173 = vector.shape_cast %xor3A_12 : vector<16xi32> to vector<16x1xi32>
        %parallel_loop3A_174 = vector.shape_cast %parallel_loop3A_173 : vector<16x1xi32> to vector<16xi32>
        %parallel_loop3A_175 = tpu.dynamic_gather %parallel_loop3A_172[%parallel_loop3A_174] in [0] : vector<16xf32>, vector<16xi32> -> vector<16xf32>
        %parallel_loop3A_176 = arith.addf %parallel_loop3A_172, %parallel_loop3A_175 : vector<16xf32>
        %parallel_loop3A_177 = vector.shape_cast %xor3A_15 : vector<16xi32> to vector<16x1xi32>
        %parallel_loop3A_178 = vector.shape_cast %parallel_loop3A_177 : vector<16x1xi32> to vector<16xi32>
        %parallel_loop3A_179 = tpu.dynamic_gather %parallel_loop3A_176[%parallel_loop3A_178] in [0] : vector<16xf32>, vector<16xi32> -> vector<16xf32>
        %parallel_loop3A_180 = arith.addf %parallel_loop3A_176, %parallel_loop3A_179 : vector<16xf32>
        %parallel_loop3A_181 = arith.constant 7.812500e-03 : f32
        %parallel_loop3A_182 = vector.broadcast %parallel_loop3A_181 : f32 to vector<16xf32>
        %parallel_loop3A_183 = arith.mulf %parallel_loop3A_180, %parallel_loop3A_182 : vector<16xf32>
        %parallel_loop3A_184 = vector.shape_cast %xor3A_6 : vector<16xi32> to vector<16x1xi32>
        %parallel_loop3A_185 = vector.shape_cast %parallel_loop3A_184 : vector<16x1xi32> to vector<16xi32>
        %parallel_loop3A_186 = tpu.dynamic_gather %parallel_loop3A_164[%parallel_loop3A_185] in [0] : vector<16xf32>, vector<16xi32> -> vector<16xf32>
        %parallel_loop3A_187 = arith.addf %parallel_loop3A_164, %parallel_loop3A_186 : vector<16xf32>
        %parallel_loop3A_188 = vector.shape_cast %xor3A_9 : vector<16xi32> to vector<16x1xi32>
        %parallel_loop3A_189 = vector.shape_cast %parallel_loop3A_188 : vector<16x1xi32> to vector<16xi32>
        %parallel_loop3A_190 = tpu.dynamic_gather %parallel_loop3A_187[%parallel_loop3A_189] in [0] : vector<16xf32>, vector<16xi32> -> vector<16xf32>
        %parallel_loop3A_191 = arith.addf %parallel_loop3A_187, %parallel_loop3A_190 : vector<16xf32>
        %parallel_loop3A_192 = vector.shape_cast %xor3A_12 : vector<16xi32> to vector<16x1xi32>
        %parallel_loop3A_193 = vector.shape_cast %parallel_loop3A_192 : vector<16x1xi32> to vector<16xi32>
        %parallel_loop3A_194 = tpu.dynamic_gather %parallel_loop3A_191[%parallel_loop3A_193] in [0] : vector<16xf32>, vector<16xi32> -> vector<16xf32>
        %parallel_loop3A_195 = arith.addf %parallel_loop3A_191, %parallel_loop3A_194 : vector<16xf32>
        %parallel_loop3A_196 = vector.shape_cast %xor3A_15 : vector<16xi32> to vector<16x1xi32>
        %parallel_loop3A_197 = vector.shape_cast %parallel_loop3A_196 : vector<16x1xi32> to vector<16xi32>
        %parallel_loop3A_198 = tpu.dynamic_gather %parallel_loop3A_195[%parallel_loop3A_197] in [0] : vector<16xf32>, vector<16xi32> -> vector<16xf32>
        %parallel_loop3A_199 = arith.addf %parallel_loop3A_195, %parallel_loop3A_198 : vector<16xf32>
        %parallel_loop3A_200 = arith.constant 7.812500e-03 : f32
        %parallel_loop3A_201 = vector.broadcast %parallel_loop3A_200 : f32 to vector<16xf32>
        %parallel_loop3A_202 = arith.mulf %parallel_loop3A_199, %parallel_loop3A_201 : vector<16xf32>
        %parallel_loop3A_203 = arith.mulf %parallel_loop3A_183, %parallel_loop3A_183 : vector<16xf32>
        %parallel_loop3A_204 = arith.subf %parallel_loop3A_202, %parallel_loop3A_203 : vector<16xf32>
        %parallel_loop3A_205 = arith.constant 9.99999996E-13 : f32
        %parallel_loop3A_206 = vector.broadcast %parallel_loop3A_205 : f32 to vector<16xf32>
        %parallel_loop3A_207 = arith.addf %parallel_loop3A_204, %parallel_loop3A_206 : vector<16xf32>
        %parallel_loop3A_208 = vector.bitcast %parallel_loop3A_207 : vector<16xf32> to vector<16xi32>
        %parallel_loop3A_209 = arith.constant 1 : i32
        %parallel_loop3A_210 = vector.broadcast %parallel_loop3A_209 : i32 to vector<16xi32>
        %parallel_loop3A_211 = arith.shrsi %parallel_loop3A_208, %parallel_loop3A_210 : vector<16xi32>
        %parallel_loop3A_212 = arith.constant 1597463007 : i32
        %parallel_loop3A_213 = vector.broadcast %parallel_loop3A_212 : i32 to vector<16xi32>
        %parallel_loop3A_214 = arith.subi %parallel_loop3A_213, %parallel_loop3A_211 : vector<16xi32>
        %parallel_loop3A_215 = vector.bitcast %parallel_loop3A_214 : vector<16xi32> to vector<16xf32>
        %parallel_loop3A_216 = arith.constant 5.000000e-01 : f32
        %parallel_loop3A_217 = vector.broadcast %parallel_loop3A_216 : f32 to vector<16xf32>
        %parallel_loop3A_218 = arith.mulf %parallel_loop3A_217, %parallel_loop3A_207 : vector<16xf32>
        %parallel_loop3A_219 = arith.mulf %parallel_loop3A_218, %parallel_loop3A_215 : vector<16xf32>
        %parallel_loop3A_220 = arith.mulf %parallel_loop3A_219, %parallel_loop3A_215 : vector<16xf32>
        %parallel_loop3A_221 = arith.constant 1.500000e+00 : f32
        %parallel_loop3A_222 = vector.broadcast %parallel_loop3A_221 : f32 to vector<16xf32>
        %parallel_loop3A_223 = arith.subf %parallel_loop3A_222, %parallel_loop3A_220 : vector<16xf32>
        %parallel_loop3A_224 = arith.mulf %parallel_loop3A_215, %parallel_loop3A_223 : vector<16xf32>
        %parallel_loop3A_225 = arith.constant 5.000000e-01 : f32
        %parallel_loop3A_226 = vector.broadcast %parallel_loop3A_225 : f32 to vector<16xf32>
        %parallel_loop3A_227 = arith.mulf %parallel_loop3A_226, %parallel_loop3A_207 : vector<16xf32>
        %parallel_loop3A_228 = arith.mulf %parallel_loop3A_227, %parallel_loop3A_224 : vector<16xf32>
        %parallel_loop3A_229 = arith.mulf %parallel_loop3A_228, %parallel_loop3A_224 : vector<16xf32>
        %parallel_loop3A_230 = arith.constant 1.500000e+00 : f32
        %parallel_loop3A_231 = vector.broadcast %parallel_loop3A_230 : f32 to vector<16xf32>
        %parallel_loop3A_232 = arith.subf %parallel_loop3A_231, %parallel_loop3A_229 : vector<16xf32>
        %parallel_loop3A_233 = arith.mulf %parallel_loop3A_224, %parallel_loop3A_232 : vector<16xf32>
        %parallel_loop3A_234 = arith.subf %parallel_loop3A_86, %parallel_loop3A_183 : vector<16xf32>
        %parallel_loop3A_235 = arith.mulf %get3A_16, %parallel_loop3A_233 : vector<16xf32>
        %parallel_loop3A_236 = arith.mulf %parallel_loop3A_234, %parallel_loop3A_235 : vector<16xf32>
        %parallel_loop3A_237 = arith.addf %parallel_loop3A_236, %get3A_32 : vector<16xf32>
        %parallel_loop3A_238 = arith.index_cast %parallel_loop3A_67 : i32 to index
        %parallel_loop3A_239 = arith.constant 0 : index
        %parallel_loop3A_240 = tpu.vector_load %arg12[%parallel_loop3A_238, %parallel_loop3A_239] {strides = array<i32>} : memref<128x128xf32, #tpu.memory_space<vmem>>, vector<16xf32>,
        tpu.vector_store %arg12[%parallel_loop3A_238, %parallel_loop3A_239], %parallel_loop3A_237 {strides = array<i32>} : memref<128x128xf32, #tpu.memory_space<vmem>>, vector<16xf32>,
        %parallel_loop3A_241 = arith.subf %parallel_loop3A_94, %parallel_loop3A_183 : vector<16xf32>
        %parallel_loop3A_242 = arith.mulf %get3A_18, %parallel_loop3A_233 : vector<16xf32>
        %parallel_loop3A_243 = arith.mulf %parallel_loop3A_241, %parallel_loop3A_242 : vector<16xf32>
        %parallel_loop3A_244 = arith.addf %parallel_loop3A_243, %get3A_34 : vector<16xf32>
        %parallel_loop3A_245 = arith.index_cast %parallel_loop3A_67 : i32 to index
        %parallel_loop3A_246 = arith.constant 16 : index
        %parallel_loop3A_247 = tpu.vector_load %arg12[%parallel_loop3A_245, %parallel_loop3A_246] {strides = array<i32>} : memref<128x128xf32, #tpu.memory_space<vmem>>, vector<16xf32>,
        tpu.vector_store %arg12[%parallel_loop3A_245, %parallel_loop3A_246], %parallel_loop3A_244 {strides = array<i32>} : memref<128x128xf32, #tpu.memory_space<vmem>>, vector<16xf32>,
        %parallel_loop3A_248 = arith.subf %parallel_loop3A_102, %parallel_loop3A_183 : vector<16xf32>
        %parallel_loop3A_249 = arith.mulf %get3A_20, %parallel_loop3A_233 : vector<16xf32>
        %parallel_loop3A_250 = arith.mulf %parallel_loop3A_248, %parallel_loop3A_249 : vector<16xf32>
        %parallel_loop3A_251 = arith.addf %parallel_loop3A_250, %get3A_36 : vector<16xf32>
        %parallel_loop3A_252 = arith.index_cast %parallel_loop3A_67 : i32 to index
        %parallel_loop3A_253 = arith.constant 32 : index
        %parallel_loop3A_254 = tpu.vector_load %arg12[%parallel_loop3A_252, %parallel_loop3A_253] {strides = array<i32>} : memref<128x128xf32, #tpu.memory_space<vmem>>, vector<16xf32>,
        tpu.vector_store %arg12[%parallel_loop3A_252, %parallel_loop3A_253], %parallel_loop3A_251 {strides = array<i32>} : memref<128x128xf32, #tpu.memory_space<vmem>>, vector<16xf32>,
        %parallel_loop3A_255 = arith.subf %parallel_loop3A_110, %parallel_loop3A_183 : vector<16xf32>
        %parallel_loop3A_256 = arith.mulf %get3A_22, %parallel_loop3A_233 : vector<16xf32>
        %parallel_loop3A_257 = arith.mulf %parallel_loop3A_255, %parallel_loop3A_256 : vector<16xf32>
        %parallel_loop3A_258 = arith.addf %parallel_loop3A_257, %get3A_38 : vector<16xf32>
        %parallel_loop3A_259 = arith.index_cast %parallel_loop3A_67 : i32 to index
        %parallel_loop3A_260 = arith.constant 48 : index
        %parallel_loop3A_261 = tpu.vector_load %arg12[%parallel_loop3A_259, %parallel_loop3A_260] {strides = array<i32>} : memref<128x128xf32, #tpu.memory_space<vmem>>, vector<16xf32>,
        tpu.vector_store %arg12[%parallel_loop3A_259, %parallel_loop3A_260], %parallel_loop3A_258 {strides = array<i32>} : memref<128x128xf32, #tpu.memory_space<vmem>>, vector<16xf32>,
        %parallel_loop3A_262 = arith.subf %parallel_loop3A_118, %parallel_loop3A_183 : vector<16xf32>
        %parallel_loop3A_263 = arith.mulf %get3A_24, %parallel_loop3A_233 : vector<16xf32>
        %parallel_loop3A_264 = arith.mulf %parallel_loop3A_262, %parallel_loop3A_263 : vector<16xf32>
        %parallel_loop3A_265 = arith.addf %parallel_loop3A_264, %get3A_40 : vector<16xf32>
        %parallel_loop3A_266 = arith.index_cast %parallel_loop3A_67 : i32 to index
        %parallel_loop3A_267 = arith.constant 64 : index
        %parallel_loop3A_268 = tpu.vector_load %arg12[%parallel_loop3A_266, %parallel_loop3A_267] {strides = array<i32>} : memref<128x128xf32, #tpu.memory_space<vmem>>, vector<16xf32>,
        tpu.vector_store %arg12[%parallel_loop3A_266, %parallel_loop3A_267], %parallel_loop3A_265 {strides = array<i32>} : memref<128x128xf32, #tpu.memory_space<vmem>>, vector<16xf32>,
        %parallel_loop3A_269 = arith.subf %parallel_loop3A_126, %parallel_loop3A_183 : vector<16xf32>
        %parallel_loop3A_270 = arith.mulf %get3A_26, %parallel_loop3A_233 : vector<16xf32>
        %parallel_loop3A_271 = arith.mulf %parallel_loop3A_269, %parallel_loop3A_270 : vector<16xf32>
        %parallel_loop3A_272 = arith.addf %parallel_loop3A_271, %get3A_42 : vector<16xf32>
        %parallel_loop3A_273 = arith.index_cast %parallel_loop3A_67 : i32 to index
        %parallel_loop3A_274 = arith.constant 80 : index
        %parallel_loop3A_275 = tpu.vector_load %arg12[%parallel_loop3A_273, %parallel_loop3A_274] {strides = array<i32>} : memref<128x128xf32, #tpu.memory_space<vmem>>, vector<16xf32>,
        tpu.vector_store %arg12[%parallel_loop3A_273, %parallel_loop3A_274], %parallel_loop3A_272 {strides = array<i32>} : memref<128x128xf32, #tpu.memory_space<vmem>>, vector<16xf32>,
        %parallel_loop3A_276 = arith.subf %parallel_loop3A_134, %parallel_loop3A_183 : vector<16xf32>
        %parallel_loop3A_277 = arith.mulf %get3A_28, %parallel_loop3A_233 : vector<16xf32>
        %parallel_loop3A_278 = arith.mulf %parallel_loop3A_276, %parallel_loop3A_277 : vector<16xf32>
        %parallel_loop3A_279 = arith.addf %parallel_loop3A_278, %get3A_44 : vector<16xf32>
        %parallel_loop3A_280 = arith.index_cast %parallel_loop3A_67 : i32 to index
        %parallel_loop3A_281 = arith.constant 96 : index
        %parallel_loop3A_282 = tpu.vector_load %arg12[%parallel_loop3A_280, %parallel_loop3A_281] {strides = array<i32>} : memref<128x128xf32, #tpu.memory_space<vmem>>, vector<16xf32>,
        tpu.vector_store %arg12[%parallel_loop3A_280, %parallel_loop3A_281], %parallel_loop3A_279 {strides = array<i32>} : memref<128x128xf32, #tpu.memory_space<vmem>>, vector<16xf32>,
        %parallel_loop3A_283 = arith.subf %parallel_loop3A_142, %parallel_loop3A_183 : vector<16xf32>
        %parallel_loop3A_284 = arith.mulf %get3A_30, %parallel_loop3A_233 : vector<16xf32>
        %parallel_loop3A_285 = arith.mulf %parallel_loop3A_283, %parallel_loop3A_284 : vector<16xf32>
        %parallel_loop3A_286 = arith.addf %parallel_loop3A_285, %get3A_46 : vector<16xf32>
        %parallel_loop3A_287 = arith.index_cast %parallel_loop3A_67 : i32 to index
        %parallel_loop3A_288 = arith.constant 112 : index
        %parallel_loop3A_289 = tpu.vector_load %arg12[%parallel_loop3A_287, %parallel_loop3A_288] {strides = array<i32>} : memref<128x128xf32, #tpu.memory_space<vmem>>, vector<16xf32>,
        tpu.vector_store %arg12[%parallel_loop3A_287, %parallel_loop3A_288], %parallel_loop3A_286 {strides = array<i32>} : memref<128x128xf32, #tpu.memory_space<vmem>>, vector<16xf32>,
      } {sc.loop_unroll_factor = 4 : i64, sc.parallel_access}
      %add3A_66 = arith.addi %mul3A_2, %mul3A_54 : i32
      "tpu.region"() ({
        %run_scoped3A = tpu.sem_alloc : memref<!tpu.dma_semaphore, #tpu.memory_space<semaphore_mem>>
        %dma_start3A_67 = arith.constant 0 : i32
        %dma_start3A_68 = tpu.memref_slice %arg9[%add3A_66, %dma_start3A_67] : memref<204800x128xf32, #tpu.memory_space<hbm>> -> memref<128x128xf32, #tpu.memory_space<hbm>>
        %dma_start3A_69 = arith.constant 0 : i32
        %dma_start3A_70 = tpu.memref_slice %arg9[%add3A_66, %dma_start3A_69] : memref<204800x128xf32, #tpu.memory_space<hbm>> -> memref<128x128xf32, #tpu.memory_space<hbm>>
        tpu.enqueue_dma source(%arg12 : memref<128x128xf32, #tpu.memory_space<vmem>>) target(%dma_start3A_70 : memref<128x128xf32, #tpu.memory_space<hbm>>) target_semaphore(%run_scoped3A : memref<!tpu.dma_semaphore, #tpu.memory_space<semaphore_mem>>)
        %dma_wait3A_71 = arith.constant 0 : i32
        %dma_wait3A_72 = tpu.memref_slice %arg9[%add3A_66, %dma_wait3A_71] : memref<204800x128xf32, #tpu.memory_space<hbm>> -> memref<128x128xf32, #tpu.memory_space<hbm>>
        %dma_wait3A_73 = arith.constant 0 : i32
        %dma_wait3A_74 = tpu.memref_slice %arg9[%add3A_66, %dma_wait3A_73] : memref<204800x128xf32, #tpu.memory_space<hbm>> -> memref<128x128xf32, #tpu.memory_space<hbm>>
        tpu.wait_dma2 semaphore(%run_scoped3A : memref<!tpu.dma_semaphore, #tpu.memory_space<semaphore_mem>>) src(%arg12 : memref<128x128xf32, #tpu.memory_space<vmem>>) dst(%dma_wait3A_74 : memref<128x128xf32, #tpu.memory_space<hbm>>)
        tpu.yield
      }) : () -> ()
    }
    %scan3A_51 = arith.constant 50 : i32
    return
  }
}

</mosaic_0001>

<sc_bundles>
// kernel: kernel.3.cloned.1.call-start
scs
__scs_entry_jumppad:
0x0: {  	(pc) =	sbr.rel $0x88, $3  }
0x1: {  	(tag) =	ssettag $0x0;
	lr =	simm.s32 $0x1  }
0x2: {  	[smem:$0x3F9A] =	sst lr;
	_ =	strace $0xD0000000  }
0x3: {  	_ = 	snop  }
0x4: {  	_ = 	snop  }
0x5: {  	_ = 	snop  }
0x6: {  	_ = 	snop  }
0x7: {  	_ = 	snop  }
__scs_overlays_trampoline_lowered:
0x8: {  	[smem:$0x3FA9] =	sst s0  }
0x9: {  	[smem:$0x3FAA] =	sst s1  }
0xa: {  	[smem:$0x3FAB] =	sst s2  }
0xb: {  	[smem:$0x3FAC] =	sst s3  }
0xc: {  	[smem:$0x3FAD] =	sst s4  }
0xd: {  	[smem:$0x3FAE] =	sst s5  }
0xe: {  	[smem:$0x3FAF] =	sst s6  }
0xf: {  	[smem:$0x3FB0] =	sst s7  }
0x10: {  	[smem:$0x3FB1] =	sst s8  }
0x11: {  	[smem:$0x3FB2] =	sst s9;
	s0 =	simm.s32 @!p0 $0x0  }
0x12: {  	s1 =	sld [smem:$0x3F98];
	s0 =	simm.s32 @p0 $0x1  }
0x13: {  	[smem:$0x3FB3] =	sst s0;
	s0 =	simm.s32 @!p1 $0x0  }
0x14: {  	s2 =	sld [smem:$0x3F97];
	s0 =	simm.s32 @p1 $0x1  }
0x15: {  	[smem:$0x3FB4] =	sst s0;
	s0 =	simm.s32 @!p2 $0x0  }
0x16: {  	s3 =	sld [smem:$0x3FDB];
	s0 =	simm.s32 @p2 $0x1  }
0x17: {  	s4 =	simm.s32 $0x1BF5;
	[smem:$0x3FB6] =	sst s0  }
0x18: {  	s0 =	sld [smem:$0x3F99];
	_ =	swait.ge [sflag:s4], $0x0  }
0x19: {  	s7 =	sld [smem:$0x3F9A]  }
0x1a: {  	s8 =	sadd.s32 $0xFFFFE003, lr  }
0x1b: {  	s9 =	sadd.s32 $0xFFFFFEF7, lr;
	s5 =	simm.s32 $0xFFFFFFFF;
	p2 =	slt.u32 s8, $0xFFFFF086  }
0x1c: {  	p1 =	slt.u32 s9, $0xF7A;
	s5 =	simm.s32 @!p2 $0x0  }
0x1d: {  	s5 =	simm.s32 @p1 $0x1;
	p0 =	seq.s32 s7, s2  }
0x1e: {  	s7 =	smul.u32 @!p0 $0xF7A, s2;
	p2 =	seq.s32 @!p0 s5, $0x0  }
0x1f: {  	s9 =	smul.u32 $0xF7A, s1;
	s8 =	simm.s32 @!p0 $0x1BF5;
	p2 =	por !p2, p0  }
0x20: {  	[sflag:s8] =	ssyncset.s32 @!p0 $0xFFFFF086;
	s6 =	sadd.s32 @!p0 s3, s7;
	s7 =	simm.s32 @!p0 $0x108  }
0x21: {  	s3 =	sadd.s32 s3, s9;
	s6 =	sadd.s32 @!p0 $0x88, s6;
	s7 =	simm.s32 @p2 $0x1082  }
0x22: {  	[simem:s7], [sflag:s8] =	dma.local @!p0 [hbm:s6], $0xF7A  }
0x23: {  	s9 =	sor.u32 $0xD0000000, s2;
	s6 =	simm.s32 $0x108;
	_ =	swait.ge @!p0 [sflag:s8], $0x0  }
0x24: {  	s3 =	sadd.s32 $0x88, s3;
	s6 =	simm.s32 @!p1 $0x1082;
	[sflag:s4] =	ssyncset.s32 $0xFFFFF086  }
0x25: {  	[simem:s6], [sflag:s4] =	dma.local [hbm:s3], $0xF7A  }
0x26: {  	[smem:$0x3F9A] =	sst s1;
	(tag) =	ssettag s2;
	_ =	strace s9  }
0x27: {  	s1 =	sld [smem:$0x3FAA]  }
0x28: {  	s2 =	sld [smem:$0x3FAB]  }
0x29: {  	s4 =	sld [smem:$0x3FAD]  }
0x2a: {  	p0 =	seq.s32 s5, $0x0;
	s5 =	sld [smem:$0x3FAE]  }
0x2b: {  	s6 =	sld [smem:$0x3FAF]  }
0x2c: {  	s7 =	sld [smem:$0x3FB0]  }
0x2d: {  	s3 =	simm.s32 $0x108;
	s8 =	sld [smem:$0x3FB1]  }
0x2e: {  	s3 =	simm.s32 @!p0 $0x1082;
	s9 =	sld [smem:$0x3FB2]  }
0x2f: {  	lr =	sadd.s32 s0, s3;
	s0 =	sld [smem:$0x3FA9]  }
0x30: {  	s3 =	sld [smem:$0x3FAC]  }
0x31: {  	[smem:$0x3FB5] =	sst s10  }
0x32: {  	s10 =	sld [smem:$0x3FB3];
	_ =	sdelay $0x3  }
0x33: {  	p0 =	seq.s32 s10, $0x1;
	s10 =	sld [smem:$0x3FB5];
	_ =	sdelay $0x3  }
0x34: {  	[smem:$0x3FB5] =	sst s10  }
0x35: {  	s10 =	sld [smem:$0x3FB4];
	_ =	sdelay $0x3  }
0x36: {  	p1 =	seq.s32 s10, $0x1;
	s10 =	sld [smem:$0x3FB5];
	_ =	sdelay $0x3  }
0x37: {  	[smem:$0x3FB5] =	sst s10  }
0x38: {  	s10 =	sld [smem:$0x3FB6]  }
0x39: {  	_ = 	snop;
	(pc) =	sbr.ind lr, $3  }
0x3a: {  	_ = 	snop  }
0x3b: {  	_ = 	snop  }
0x3c: {  	p2 =	seq.s32 s10, $0x1;
	s10 =	sld [smem:$0x3FB5]  }
0x3d: {  	_ =	shalt  }
0x3e: {  	_ =	shalt  }
0x3f: {  	_ =	shalt  }
0x40: {  	_ =	shalt  }
0x41: {  	_ =	shalt  }
0x42: {  	_ =	shalt  }
0x43: {  	_ =	shalt  }
0x44: {  	_ =	shalt  }
0x45: {  	_ =	shalt  }
0x46: {  	_ =	shalt  }
0x47: {  	_ =	shalt  }
0x48: {  	_ =	shalt  }
0x49: {  	_ =	shalt  }
0x4a: {  	_ =	shalt  }
0x4b: {  	_ =	shalt  }
0x4c: {  	_ =	shalt  }
0x4d: {  	_ =	shalt  }
0x4e: {  	_ =	shalt  }
0x4f: {  	_ =	shalt  }
0x50: {  	_ =	shalt  }
0x51: {  	_ =	shalt  }
0x52: {  	_ =	shalt  }
0x53: {  	_ =	shalt  }
0x54: {  	_ =	shalt  }
0x55: {  	_ =	shalt  }
0x56: {  	_ =	shalt  }
0x57: {  	_ =	shalt  }
0x58: {  	_ =	shalt  }
0x59: {  	_ =	shalt  }
0x5a: {  	_ =	shalt  }
0x5b: {  	_ =	shalt  }
0x5c: {  	_ =	shalt  }
0x5d: {  	_ =	shalt  }
0x5e: {  	_ =	shalt  }
0x5f: {  	_ =	shalt  }
0x60: {  	_ =	shalt  }
0x61: {  	_ =	shalt  }
0x62: {  	_ =	shalt  }
0x63: {  	_ =	shalt  }
0x64: {  	_ =	shalt  }
0x65: {  	_ =	shalt  }
0x66: {  	_ =	shalt  }
0x67: {  	_ =	shalt  }
0x68: {  	_ =	shalt  }
0x69: {  	_ =	shalt  }
0x6a: {  	_ =	shalt  }
0x6b: {  	_ =	shalt  }
0x6c: {  	_ =	shalt  }
0x6d: {  	_ =	shalt  }
0x6e: {  	_ =	shalt  }
0x6f: {  	_ =	shalt  }
0x70: {  	_ =	shalt  }
0x71: {  	_ =	shalt  }
0x72: {  	_ =	shalt  }
0x73: {  	_ =	shalt  }
0x74: {  	_ =	shalt  }
0x75: {  	_ =	shalt  }
0x76: {  	_ =	shalt  }
0x77: {  	_ =	shalt  }
0x78: {  	_ =	shalt  }
0x79: {  	_ =	shalt  }
0x7a: {  	_ =	shalt  }
0x7b: {  	_ =	shalt  }
0x7c: {  	_ =	shalt  }
0x7d: {  	_ =	shalt  }
0x7e: {  	_ =	shalt  }
0x7f: {  	_ =	shalt  }
0x80: {  	_ =	shalt  }
0x81: {  	_ =	shalt  }
0x82: {  	_ =	shalt  }
0x83: {  	_ =	shalt  }
0x84: {  	_ =	shalt  }
0x85: {  	_ =	shalt  }
0x86: {  	_ =	shalt  }
0x87: {  	_ =	shalt  }
.Lfunc_end0:
.L_simem_size_0:
called_computation_lowered:
.L_overlay_start_0:
0x88: {  	s2 =	sld [smem:$0x3FD9]  }
0x89: {  	s3 =	sld [smem:$0x3FFE];
	_ =	sdelay $0x1  }
0x8a: {  	s1 =	srdreg.scid  }
0x8b: {  	s0 =	sand.u32 $0x1, s1  }
0x8c: {  	s17 =	sshll.u32 s0, $0xA;
	s2 =	sadd.s32 s3, s2  }
0x8d: {  	s2 =	sadd.s32 s2, s17  }
0x8e: {  	[smem:$0x3FC1] =	sst s2  }
0x8f: {  	_ = 	snop  }
0x90: {  	s2 =	sld [smem:$0x3FC7]  }
0x91: {  	s18 =	sld [smem:$0x3FC6]  }
0x92: {  	s4 =	sld [smem:$0x3FC5]  }
0x93: {  	s5 =	sld [smem:$0x3FC4]  }
0x94: {  	s6 =	sld [smem:$0x3FC3]  }
0x95: {  	s7 =	sld [smem:$0x3FD0];
	(tm) =	ssettm $0x1  }
0x96: {  	s8 =	sld [smem:$0x3FFB];
	_ =	sdelay $0x3  }
0x97: {  	_ =	strace s8  }
0x98: {  	s8 =	sld [smem:$0x3FFC];
	_ =	sdelay $0x3  }
0x99: {  	_ =	strace s8  }
0x9a: {  	s8 =	sld [smem:$0x3FFD];
	_ =	sdelay $0x3  }
0x9b: {  	_ =	strace s8  }
0x9c: {  	_ =	strace $0x8FFFFFFF  }
0x9d: {  	s19 =	sld [smem:$0x3FDB];
	_ =	sdelay $0x1  }
0x9e: {  	s9 =	simm.s32 $_scs_section_size  }
0x9f: {  	s10 =	simm.s32 $_size__tile_overlayer_lowered;
	s11 =	simm.s32 $_tile_overlayer_lowered  }
0xa0: {  	s22 =	simm.s32 $0x1BFF;
	s21 =	sshll.u32 s11, $0x1;
	s8 =	sadd.s32 s9, s19  }
0xa1: {  	s12 =	simm.s32 $0x0;
	s20 =	sshll.u32 s10, $0x1;
	s10 =	sadd.s32 s21, s8  }
0xa2: {  	[timem:s12], [sflag:s22] =	dma.local [hbm:s10], s20  }
0xa3: {  	_ =	swait.ge [sflag:s22], s20  }
0xa4: {  	s9 =	ssub.s32 $0x0, s20;
	[sflag:s22] =	ssyncset.done $0x0  }
0xa5: {  	[sflag:s22] =	ssyncadd.s32 s9;
	_ =	sdelay $0x1  }
0xa6: {  	s23 =	simm.s32 $0x1B8B  }
0xa7: {  	_ =	swait.ge [sflag:s23], $0x1  }
0xa8: {  	[sflag:s23] =	ssyncset.done $0x0  }
0xa9: {  	s25 =	simm.s32 $0x1B8E;
	s24 =	sld [smem:$0x3FFE];
	[sflag:s23] =	ssyncadd.s32 $0xFFFFFFFF  }
0xaa: {  	s26 =	simm.s32 $execute0_lowered;
	[smem:$0x3FD2] =	sst s25  }
0xab: {  	s10 =	sshll.u32 s26, $0x1;
	_ =	strace $0x80000046;
	[dreg:$0x1] =	wrdreg $0xFFFFFFFF  }
0xac: {  	s28 =	simm.s32 $_size_execute0_lowered;
	s8 =	sadd.s32 s8, s10;
	[dreg:$0x0] =	wrdreg $0x0  }
0xad: {  	s10 =	sshll.u32 s28, $0x1;
	[dreg:$0x2] =	wrdreg s8  }
0xae: {  	[dreg:$0x3] =	wrdreg s10  }
0xaf: {  	[dreg:$0x4] =	wrdreg $0xC0  }
0xb0: {  	_ =	task [dreg:s12], $0x5FFFF  }
0xb1: {  	[dreg:$0x1] =	wrdreg $0xFFFFFFFF  }
0xb2: {  	[dreg:$0x0] =	wrdreg $0x60  }
0xb3: {  	[dreg:$0x2] =	wrdreg s24  }
0xb4: {  	[dreg:$0x3] =	wrdreg s2  }
0xb5: {  	[dreg:$0x4] =	wrdreg s18  }
0xb6: {  	[dreg:$0x5] =	wrdreg s4  }
0xb7: {  	[dreg:$0x6] =	wrdreg s5  }
0xb8: {  	[dreg:$0x7] =	wrdreg s6  }
0xb9: {  	[dreg:$0x8] =	wrdreg s7  }
0xba: {  	[dreg:$0x9] =	wrdreg $0x9  }
0xbb: {  	_ =	task.clear_ibuf [dreg:s12], $0xAFFFF;
	_ =	strace $0x90000046  }
0xbc: {  	s29 =	simm.s32 $0x9;
	_ =	strace $0x80000048  }
0xbd: {  	_ =	swait.ge [sflag:s29], $0x1  }
0xbe: {  	[sflag:s29] =	ssyncadd.s32 $0xFFFFFFFF  }
0xbf: {  	_ =	strace $0x90000048  }
0xc0: {  	_ =	sfence  }
0xc1: {  	s30 =	sld [smem:$0x0];
	_ =	sdelay $0x2  }
0xc2: {  	s31 =	sshll.u32 s1, $0xD;
	s1 =	sshrl.u32 s1, $0x2  }
0xc3: {  	s3 =	sand.u32 $0x4000, s31;
	s1 =	sadd.s32 s1, s30  }
0xc4: {  	s0 =	sor.u32 s3, s0;
	s1 =	sshll.u32 s1, $0x11  }
0xc5: {  	s0 =	sor.u32 s1, s0  }
0xc6: {  	s0 =	sadd.s32 $0x8F2B, s0  }
0xc7: {  	[sflag:s0] =	ssyncadd.remote.s32 $0x1  }
0xc8: {  	_ =	sfence.sel $0xFFFF  }
0xc9: {  	[dreg:$0x0] =	wrdreg $0xFFFFFFFF;
	(pc) =	sbr.abs _section_cstart, $3  }
0xca: {  	[dreg:$0x1] =	wrdreg $0xFFFFFFFF  }
0xcb: {  	_ =	task.clear_ibuf [dreg:s12], $0x2FFFF;
	_ =	strace $0x9FFFFFFF  }
0xcc: {  	(tm) =	ssettm $0x7FFFFFFF  }
0xcd: {  	_ =	shalt  }
tec
execute0_lowered:
.L_overlay_start_1:
0x0: {  	(tag) =	ssettag $0x1  }
0x1: {  	v0 =	vimm.s32 $0xEFCDAB89  }
0x2: {  	v1 =	vimm.s32 $0x67452301;
	v10 =	vlaneseq.u32;
	v2 =	vimm.s32 $0xDCFE98BA  }
0x3: {  	s2 =	rddreg [dreg:$0x0];
	v54 =	vimm.s32 $0x54761032;
	v3 =	vimm.s32 $0xBA98FEDC;
	v4 =	vimm.s32 $0x32107654  }
0x4: {  	s0 =	rddreg [dreg:$0x1];
	v5 =	vimm.s32 $0xFEDCBA98;
	v6 =	vimm.s32 $0x76543210;
	v0 =	vunpack.c.l.s4.s8 v0  }
0x5: {  	s1 =	rddreg [dreg:$0x2];
	s8 =	simm.s32 $0x0;
	v1 =	vunpack.c.l.s4.s8 v1;
	v11 =	vor.u32 $0x10, v10;
	v2 =	vunpack.c.l.s4.s8 v2  }
0x6: {  	v48 =	vor.u32 $0x20, v10;
	v49 =	vor.u32 $0x30, v10;
	[smem:$0x7FF] =	sst s8;
	v57 =	vor.u32 $0x60, v10  }
0x7: {  	s7 =	rddreg [dreg:$0x6];
	v3 =	vunpack.c.l.s4.s8 v3;
	v4 =	vunpack.c.l.s4.s8 v4;
	v26 =	vor.u32 $0x70, v10;
	_ =	strace $0x80000047;
	[tilespmem:$0x1FF50] =	vst v57  }
0x8: {  	v5 =	vunpack.c.l.s4.s8 v5;
	v6 =	vunpack.c.l.s4.s8 v6;
	v59 =	vor.u32 $0x50, v10;
	[tilespmem:$0x1FF60] =	vst v26  }
0x9: {  	s5 =	srdreg.scid;
	[tilespmem:$0x1FFB0] =	vst v49;
	v0 =	vunpack.c.0.s8.s32 v0;
	v1 =	vunpack.c.0.s8.s32 v1;
	v53 =	vunpack.c.0.s8.s32 v2  }
0xa: {  	s3 =	stileid.u32;
	s15 =	simm.s32 $0x2;
	s16 =	simm.s32 $0x12200;
	[tilespmem:$0x1FFC0] =	vst v48;
	v2 =	vunpack.c.l.s4.s8 v54;
	v3 =	vunpack.c.0.s8.s32 v3;
	v4 =	vunpack.c.0.s8.s32 v4  }
0xb: {  	s19 =	simm.s32 $0x13B00;
	s5 =	sand.u32 $0x1, s5;
	s6 =	sshll.u32 s3, $0x1;
	v44 =	vor.u32 $0x40, v10;
	[tilespmem:$0x1FFD0] =	vst v59;
	v55 =	vunpack.c.0.s8.s32 v5;
	v0 =	vcombine.low v1, v0  }
0xc: {  	s20 =	simm.s32 $0x13B80;
	s13 =	smul.u32 $0x3200, s3;
	s6 =	sor.u32 s5, s6;
	[tilespmem:$0x1FFE0] =	vst v44;
	v58 =	vunpack.c.0.s8.s32 v6;
	v2 =	vunpack.c.0.s8.s32 v2;
	v3 =	vcombine.low v4, v3  }
0xd: {  	s21 =	simm.s32 $0x80;
	s22 =	simm.s32 $0xC900;
	[tilespmem:$0x1FFF0] =	vst v11;
	s9 =	smul.u32 $0x1900, s6;
	v63 =	vand.u32 $0xF, v55;
	v60 =	vand.u32 $0xF, v0  }
0xe: {  	s23 =	simm.s32 $0x1;
	s31 =	ssub.s32 $0x2, s5;
	s5 =	smul.u32 $0x1900, s5;
	v50 =	vcombine.low v63, v58;
	v1 =	vcombine.low v2, v53;
	v54 =	vand.u32 $0xF, v3;
	[tilespmem:$0x1FF70] =	vst v60  }
0xf: {  	s24 =	simm.s32 $0x0;
	s11 =	sshrl.u32 s31, $0x1;
	s10 =	sshrl.u32 s9, $0x3;
	[tilespmem:$0x1FF90] =	vst v54  }
0x10: {  	s6 =	ssub.s32 s31, s11;
	s13 =	sadd.s32 s5, s13;
	s2 =	sadd.s32 s10, s2;
	[tilespmem:$0x1FFA0] =	vst v50;
	v55 =	vand.u32 $0xF, v1  }
0x11: {  	s12 =	smax.u32 s6, $0x1;
	s10 =	sadd.s32 $0x400, s2;
	s11 =	sadd.s32 $0x6800, s2;
	[tilespmem:$0x1FF80] =	vst v55  }
.LBB2_1:
0x12: {  	s2 =	simm.s32 $0x10900  }
0x13: {  	[tilespmem:s2], [sflag:$0x2] =	stream.linear.gather [hbm4b:s10+s8], $0x1900, $0x38;
	[tilespmem:$0x13C00] =	vst v63  }
0x14: {  	_ =	swait.ge [sflag:s15], $0x1900  }
0x15: {  	[sflag:s15] =	ssyncset.done $0x0  }
0x16: {  	[sflag:s15] =	ssyncadd.s32 $0xFFFFE700  }
0x17: {  	[tilespmem:s16], [sflag:$0x2] =	stream.linear.gather [hbm4b:s11+s8], $0x1900, $0x38;
	[tilespmem:$0x13C00] =	vst v63  }
0x18: {  	_ =	swait.ge [sflag:s15], $0x1900  }
0x19: {  	[sflag:s15] =	ssyncset.done $0x0  }
0x1a: {  	[sflag:s15] =	ssyncadd.s32 $0xFFFFE700  }
0x1b: {  	[tilespmem:s8], [sflag:$0x2] =	stream.linear.gather [hbm4b:s1+s8], $0x6400, $0x38;
	[tilespmem:$0x13C00] =	vst v63  }
0x1c: {  	_ =	swait.ge [sflag:s15], $0x6400  }
0x1d: {  	[sflag:s15] =	ssyncset.done $0x0  }
0x1e: {  	s28 =	simm.s32 $0x6400;
	[sflag:s15] =	ssyncadd.s32 $0xFFFF9C00  }
0x1f: {  	[tilespmem:s28], [sflag:$0x2] =	stream.linear.gather [hbm4b:s1+s8], $0x6400, $0x38;
	[tilespmem:$0x13C00] =	vst v63  }
0x20: {  	_ =	swait.ge [sflag:s15], $0x6400  }
0x21: {  	[sflag:s15] =	ssyncset.done $0x0  }
0x22: {  	[sflag:s15] =	ssyncadd.s32 $0xFFFF9C00  }
0x23: {  	s3 =	simm.s32 $0xC800;
	s29 =	rddreg [dreg:$0x3]  }
0x24: {  	[tilespmem:s3], [sflag:$0x2] =	stream.linear.gather [hbm4b:s29+s8], $0x100, $0x38;
	[tilespmem:$0x13C00] =	vst v63  }
0x25: {  	_ =	swait.ge [sflag:s15], $0x100  }
0x26: {  	[sflag:s15] =	ssyncset.done $0x0  }
0x27: {  	[sflag:s15] =	ssyncadd.s32 $0xFFFFFF00  }
0x28: {  	s30 =	rddreg [dreg:$0x4]  }
0x29: {  	[tilespmem:s19], [sflag:$0x2] =	stream.linear.gather [hbm4b:s30+s8], $0x80, $0x38;
	[tilespmem:$0x13C00] =	vst v63  }
0x2a: {  	_ =	swait.ge [sflag:s15], $0x80  }
0x2b: {  	[sflag:s15] =	ssyncset.done $0x0  }
0x2c: {  	[sflag:s15] =	ssyncadd.s32 $0xFFFFFF80  }
0x2d: {  	s31 =	rddreg [dreg:$0x5]  }
0x2e: {  	[tilespmem:s20], [sflag:$0x2] =	stream.linear.gather [hbm4b:s31+s8], $0x80, $0x38;
	[tilespmem:$0x13C00] =	vst v63  }
0x2f: {  	_ =	swait.ge [sflag:s15], $0x80  }
0x30: {  	[sflag:s15] =	ssyncset.done $0x0  }
0x31: {  	[sflag:s15] =	ssyncadd.s32 $0xFFFFFF80  }
0x32: {  	v0 =	vld [tilespmem:$0xC800]  }
0x33: {  	v1 =	vld [tilespmem:s8+$0x80];
	_ =	sdelay $0x4  }
0x34: {  	v1 =	vadd.f32 v1, v0;
	_ =	sdelay $0x1  }
0x35: {  	[tilespmem:s8+$0x80] =	vst v1;
	v1 =	vld [tilespmem:s8+$0x6480]  }
0x36: {  	v2 =	vld [tilespmem:$0xC880];
	_ =	sdelay $0x3  }
0x37: {  	v3 =	vld [tilespmem:s8+$0x0]  }
0x38: {  	v1 =	vadd.f32 v2, v1;
	_ =	sdelay $0x1  }
0x39: {  	[tilespmem:s8+$0x6480] =	vst v1;
	v1 =	vld [tilespmem:s8+$0x90]  }
0x3a: {  	v2 =	vld [tilespmem:$0xC810]  }
0x3b: {  	v0 =	vadd.f32 v0, v3;
	_ =	sdelay $0x1  }
0x3c: {  	v3 =	vld [tilespmem:s8+$0x6400];
	[tilespmem:s8+$0x0] =	vst v0  }
0x3d: {  	v0 =	vld [tilespmem:$0xC880]  }
0x3e: {  	v1 =	vadd.f32 v2, v1;
	_ =	sdelay $0x1  }
0x3f: {  	[tilespmem:s8+$0x90] =	vst v1;
	v1 =	vld [tilespmem:s8+$0x6490]  }
0x40: {  	v2 =	vld [tilespmem:$0xC890]  }
0x41: {  	v0 =	vadd.f32 v0, v3;
	_ =	sdelay $0x1  }
0x42: {  	v3 =	vld [tilespmem:s8+$0x10];
	[tilespmem:s8+$0x6400] =	vst v0  }
0x43: {  	v0 =	vld [tilespmem:$0xC810]  }
0x44: {  	v1 =	vadd.f32 v2, v1;
	_ =	sdelay $0x1  }
0x45: {  	[tilespmem:s8+$0x6490] =	vst v1;
	v1 =	vld [tilespmem:s8+$0xA0]  }
0x46: {  	v2 =	vld [tilespmem:$0xC820]  }
0x47: {  	v0 =	vadd.f32 v0, v3;
	_ =	sdelay $0x1  }
0x48: {  	v3 =	vld [tilespmem:s8+$0x6410];
	[tilespmem:s8+$0x10] =	vst v0  }
0x49: {  	v0 =	vld [tilespmem:$0xC890]  }
0x4a: {  	v1 =	vadd.f32 v2, v1;
	_ =	sdelay $0x1  }
0x4b: {  	[tilespmem:s8+$0xA0] =	vst v1;
	v1 =	vld [tilespmem:s8+$0x64A0]  }
0x4c: {  	v2 =	vld [tilespmem:$0xC8A0]  }
0x4d: {  	v0 =	vadd.f32 v0, v3;
	_ =	sdelay $0x1  }
0x4e: {  	v3 =	vld [tilespmem:s8+$0x20];
	[tilespmem:s8+$0x6410] =	vst v0  }
0x4f: {  	v0 =	vld [tilespmem:$0xC820]  }
0x50: {  	v4 =	vld [tilespmem:s8+$0x6420];
	v1 =	vadd.f32 v2, v1  }
0x51: {  	v5 =	vld [tilespmem:s8+$0x6430]  }
0x52: {  	[tilespmem:s8+$0x64A0] =	vst v1;
	v1 =	vld [tilespmem:s8+$0xB0]  }
0x53: {  	v2 =	vld [tilespmem:$0xC830]  }
0x54: {  	s5 =	simm.s32 $0x100;
	v6 =	vld [tilespmem:s8+$0x40];
	v0 =	vadd.f32 v0, v3  }
0x55: {  	v8 =	vld [tilespmem:s5+$0x80]  }
0x56: {  	v9 =	vld [tilespmem:s8+$0x50];
	[tilespmem:s8+$0x20] =	vst v0  }
0x57: {  	v0 =	vld [tilespmem:$0xC8A0]  }
0x58: {  	v14 =	vld [tilespmem:s8+$0x6450];
	v1 =	vadd.f32 v2, v1  }
0x59: {  	v12 =	vld [tilespmem:s8+$0xC0]  }
0x5a: {  	[tilespmem:s8+$0xB0] =	vst v1;
	v1 =	vld [tilespmem:s8+$0x64B0]  }
0x5b: {  	v7 =	vld [tilespmem:$0xC8B0]  }
0x5c: {  	v15 =	vld [tilespmem:s5+$0x6400];
	v0 =	vadd.f32 v0, v4  }
0x5d: {  	v3 =	vld [tilespmem:s8+$0x30]  }
0x5e: {  	v4 =	vld [tilespmem:$0xC800];
	[tilespmem:s8+$0x6420] =	vst v0  }
0x5f: {  	v0 =	vld [tilespmem:$0xC830]  }
0x60: {  	v16 =	vld [tilespmem:s5+$0x10];
	v1 =	vadd.f32 v7, v1  }
0x61: {  	v17 =	vld [tilespmem:s5+$0x6410]  }
0x62: {  	v20 =	vld [tilespmem:s5+$0x20];
	[tilespmem:s8+$0x64B0] =	vst v1  }
0x63: {  	v1 =	vadd.f32 v8, v4;
	v8 =	vld [tilespmem:$0xC840]  }
0x64: {  	v0 =	vadd.f32 v0, v3;
	v3 =	vld [tilespmem:s5+$0x0]  }
0x65: {  	[tilespmem:s5+$0x80] =	vst v1;
	v1 =	vld [tilespmem:s5+$0x6480]  }
0x66: {  	[tilespmem:s8+$0x30] =	vst v0;
	v0 =	vld [tilespmem:$0xC880]  }
0x67: {  	v21 =	vld [tilespmem:s5+$0x6420]  }
0x68: {  	v22 =	vld [tilespmem:s5+$0x6430];
	v8 =	vadd.f32 v8, v12  }
0x69: {  	v19 =	vld [tilespmem:s5+$0x6440];
	v3 =	vadd.f32 v4, v3  }
0x6a: {  	v4 =	vld [tilespmem:s8+$0x64C0];
	[tilespmem:s8+$0xC0] =	vst v8  }
0x6b: {  	[tilespmem:s5+$0x0] =	vst v3;
	v0 =	vadd.f32 v0, v1;
	v1 =	vld [tilespmem:$0xC8C0]  }
0x6c: {  	v3 =	vld [tilespmem:$0xC880]  }
0x6d: {  	v13 =	vld [tilespmem:$0xC8B0]  }
0x6e: {  	v18 =	vld [tilespmem:s5+$0x60]  }
0x6f: {  	v2 =	vld [tilespmem:s8+$0x6440]  }
0x70: {  	[tilespmem:s5+$0x6480] =	vst v0;
	v0 =	vld [tilespmem:s5+$0x90];
	v1 =	vadd.f32 v1, v4  }
0x71: {  	v3 =	vadd.f32 v3, v15;
	v8 =	vld [tilespmem:$0xC810]  }
0x72: {  	v5 =	vadd.f32 v13, v5;
	v13 =	vld [tilespmem:s8+$0xD0];
	[tilespmem:s8+$0x64C0] =	vst v1  }
0x73: {  	[tilespmem:s5+$0x6400] =	vst v3;
	v1 =	vld [tilespmem:$0xC850]  }
0x74: {  	v3 =	vld [tilespmem:$0xC810]  }
0x75: {  	v7 =	vld [tilespmem:s8+$0x60];
	[tilespmem:s8+$0x6430] =	vst v5  }
0x76: {  	v5 =	vld [tilespmem:$0xC840];
	v0 =	vadd.f32 v8, v0  }
0x77: {  	v15 =	vld [tilespmem:s5+$0x40]  }
0x78: {  	[tilespmem:s5+$0x90] =	vst v0;
	v0 =	vld [tilespmem:s5+$0x6490];
	v1 =	vadd.f32 v1, v13  }
0x79: {  	v3 =	vadd.f32 v3, v16;
	v8 =	vld [tilespmem:$0xC890]  }
0x7a: {  	v13 =	vld [tilespmem:s8+$0x64D0];
	[tilespmem:s8+$0xD0] =	vst v1  }
0x7b: {  	[tilespmem:s5+$0x10] =	vst v3;
	v1 =	vadd.f32 v5, v6;
	v3 =	vld [tilespmem:$0xC8D0]  }
0x7c: {  	v5 =	vld [tilespmem:$0xC890]  }
0x7d: {  	v12 =	vld [tilespmem:s8+$0x6460];
	[tilespmem:s8+$0x40] =	vst v1  }
0x7e: {  	v0 =	vadd.f32 v8, v0;
	v1 =	vld [tilespmem:$0xC8C0]  }
0x7f: {  	v16 =	vld [tilespmem:s5+$0x50]  }
0x80: {  	[tilespmem:s5+$0x6490] =	vst v0;
	v0 =	vld [tilespmem:s5+$0xA0];
	v3 =	vadd.f32 v3, v13  }
0x81: {  	v6 =	vld [tilespmem:$0xC820];
	v5 =	vadd.f32 v5, v17  }
0x82: {  	v8 =	vld [tilespmem:s8+$0xE0];
	[tilespmem:s8+$0x64D0] =	vst v3  }
0x83: {  	[tilespmem:s5+$0x6410] =	vst v5;
	v1 =	vadd.f32 v1, v2;
	v2 =	vld [tilespmem:$0xC860]  }
0x84: {  	v3 =	vld [tilespmem:$0xC820]  }
0x85: {  	v4 =	vld [tilespmem:s5+$0x30];
	[tilespmem:s8+$0x6440] =	vst v1  }
0x86: {  	v0 =	vadd.f32 v6, v0;
	v1 =	vld [tilespmem:$0xC850]  }
0x87: {  	v17 =	vld [tilespmem:s5+$0x6450]  }
0x88: {  	[tilespmem:s5+$0xA0] =	vst v0;
	v0 =	vld [tilespmem:s5+$0x64A0];
	v2 =	vadd.f32 v2, v8  }
0x89: {  	v5 =	vld [tilespmem:$0xC8A0];
	v3 =	vadd.f32 v3, v20  }
0x8a: {  	v6 =	vld [tilespmem:s8+$0x64E0];
	[tilespmem:s8+$0xE0] =	vst v2  }
0x8b: {  	[tilespmem:s5+$0x20] =	vst v3;
	v1 =	vadd.f32 v1, v9;
	v2 =	vld [tilespmem:$0xC8E0]  }
0x8c: {  	v3 =	vld [tilespmem:$0xC8A0]  }
0x8d: {  	v13 =	vld [tilespmem:s8+$0x70];
	[tilespmem:s8+$0x50] =	vst v1  }
0x8e: {  	v1 =	vadd.f32 v5, v0;
	v5 =	vld [tilespmem:$0xC8D0]  }
0x8f: {  	v20 =	vld [tilespmem:s5+$0x70]  }
0x90: {  	v8 =	vld [tilespmem:s8+$0xF0];
	[tilespmem:s5+$0x64A0] =	vst v1;
	v1 =	vadd.f32 v2, v6  }
0x91: {  	v3 =	vadd.f32 v3, v21;
	v2 =	vld [tilespmem:s5+$0xB0]  }
0x92: {  	v6 =	vld [tilespmem:$0xC830];
	[tilespmem:s8+$0x64E0] =	vst v1  }
0x93: {  	[tilespmem:s5+$0x6420] =	vst v3;
	v1 =	vadd.f32 v5, v14;
	v3 =	vld [tilespmem:$0xC870]  }
0x94: {  	v5 =	vld [tilespmem:$0xC830]  }
0x95: {  	v0 =	vld [tilespmem:s5+$0x6460];
	[tilespmem:s8+$0x6450] =	vst v1  }
0x96: {  	v1 =	vld [tilespmem:$0xC860]  }
0x97: {  	v21 =	vld [tilespmem:s5+$0x6470];
	v6 =	vadd.f32 v6, v2  }
0x98: {  	v2 =	vld [tilespmem:s8+$0x64F0];
	v3 =	vadd.f32 v3, v8  }
0x99: {  	[tilespmem:s5+$0xB0] =	vst v6;
	v6 =	vadd.f32 v5, v4;
	v4 =	vld [tilespmem:s5+$0x64B0]  }
0x9a: {  	v5 =	vld [tilespmem:$0xC8B0];
	[tilespmem:s8+$0xF0] =	vst v3  }
0x9b: {  	[tilespmem:s5+$0x30] =	vst v6;
	v3 =	vadd.f32 v1, v7;
	v1 =	vld [tilespmem:$0xC8F0]  }
0x9c: {  	v6 =	vld [tilespmem:$0xC8B0]  }
0x9d: {  	v14 =	vld [tilespmem:s8+$0x6470];
	[tilespmem:s8+$0x60] =	vst v3  }
0x9e: {  	s25 =	simm.s32 $0x2;
	s26 =	simm.s32 $0x100;
	s6 =	simm.s32 $0x0;
	v3 =	vld [tilespmem:$0xC8E0]  }
.LBB2_2:
0x9f: {  	v7 =	vld [tilespmem:$0xC800];
	v4 =	vadd.f32 v5, v4  }
0xa0: {  	s26 =	sadd.s32 $0x100, s26;
	v5 =	vld [tilespmem:s5+$0xC0];
	v1 =	vadd.f32 v1, v2  }
0xa1: {  	s25 =	sadd.s32 $0x2, s25;
	v2 =	vld [tilespmem:s26+$0x80];
	v6 =	vadd.f32 v6, v22;
	[tilespmem:s5+$0x64B0] =	vst v4  }
0xa2: {  	p0 =	slt.u32 s25, $0xC6;
	v4 =	vld [tilespmem:$0xC840];
	[tilespmem:s6+$0x64F0] =	vst v1  }
0xa3: {  	v1 =	vld [tilespmem:s26+$0x0];
	[tilespmem:s5+$0x6430] =	vst v6;
	v3 =	vadd.f32 v3, v12;
	v12 =	vmov v0  }
0xa4: {  	v0 =	vld [tilespmem:s26+$0x6400]  }
0xa5: {  	v6 =	vld [tilespmem:s26+$0x10];
	[tilespmem:s6+$0x6460] =	vst v3  }
0xa6: {  	v3 =	vld [tilespmem:s26+$0x6410];
	v2 =	vadd.f32 v2, v7  }
0xa7: {  	v4 =	vadd.f32 v4, v5;
	v5 =	vld [tilespmem:s5+$0x64C0]  }
0xa8: {  	v1 =	vadd.f32 v7, v1;
	[tilespmem:s26+$0x80] =	vst v2;
	v2 =	vld [tilespmem:s26+$0x6480]  }
0xa9: {  	v7 =	vld [tilespmem:$0xC880];
	[tilespmem:s5+$0xC0] =	vst v4  }
0xaa: {  	[tilespmem:s26+$0x0] =	vst v1;
	v4 =	vld [tilespmem:$0xC8C0]  }
0xab: {  	v8 =	vld [tilespmem:$0xC880]  }
0xac: {  	v9 =	vld [tilespmem:s26+$0x20]  }
0xad: {  	v23 =	vld [tilespmem:s26+$0x6420]  }
0xae: {  	v1 =	vld [tilespmem:s26+$0x30];
	v2 =	vadd.f32 v7, v2  }
0xaf: {  	v4 =	vadd.f32 v4, v5;
	v5 =	vld [tilespmem:s5+$0xD0]  }
0xb0: {  	v0 =	vadd.f32 v8, v0;
	[tilespmem:s26+$0x6480] =	vst v2;
	v2 =	vld [tilespmem:s26+$0x90]  }
0xb1: {  	v7 =	vld [tilespmem:$0xC810];
	[tilespmem:s5+$0x64C0] =	vst v4  }
0xb2: {  	[tilespmem:s26+$0x6400] =	vst v0;
	v0 =	vld [tilespmem:$0xC850]  }
0xb3: {  	v4 =	vld [tilespmem:$0xC810]  }
0xb4: {  	v22 =	vld [tilespmem:s26+$0x6430]  }
0xb5: {  	v8 =	vld [tilespmem:$0xC840]  }
0xb6: {  	v24 =	vld [tilespmem:s26+$0x40];
	v2 =	vadd.f32 v7, v2  }
0xb7: {  	v0 =	vadd.f32 v0, v5;
	v5 =	vld [tilespmem:s5+$0x64D0]  }
0xb8: {  	v4 =	vadd.f32 v4, v6;
	[tilespmem:s26+$0x90] =	vst v2;
	v2 =	vld [tilespmem:s26+$0x6490]  }
0xb9: {  	v6 =	vld [tilespmem:$0xC890];
	[tilespmem:s5+$0xD0] =	vst v0  }
0xba: {  	[tilespmem:s26+$0x10] =	vst v4;
	v0 =	vadd.f32 v8, v15;
	v4 =	vld [tilespmem:$0xC8D0]  }
0xbb: {  	v7 =	vld [tilespmem:$0xC890];
	v15 =	vmov v24  }
0xbc: {  	v8 =	vld [tilespmem:s26+$0x6440];
	[tilespmem:s5+$0x40] =	vst v0  }
0xbd: {  	v0 =	vld [tilespmem:$0xC8C0]  }
0xbe: {  	v24 =	vld [tilespmem:s26+$0x50];
	v2 =	vadd.f32 v6, v2  }
0xbf: {  	v4 =	vadd.f32 v4, v5;
	v5 =	vld [tilespmem:s5+$0xE0]  }
0xc0: {  	v3 =	vadd.f32 v7, v3;
	[tilespmem:s26+$0x6490] =	vst v2;
	v2 =	vld [tilespmem:s26+$0xA0]  }
0xc1: {  	v6 =	vld [tilespmem:$0xC820];
	[tilespmem:s5+$0x64D0] =	vst v4  }
0xc2: {  	[tilespmem:s26+$0x6410] =	vst v3;
	v0 =	vadd.f32 v0, v19;
	v3 =	vld [tilespmem:$0xC860];
	v19 =	vmov v8  }
0xc3: {  	v4 =	vld [tilespmem:$0xC820]  }
0xc4: {  	v7 =	vld [tilespmem:s26+$0x6450];
	[tilespmem:s5+$0x6440] =	vst v0  }
0xc5: {  	v0 =	vld [tilespmem:$0xC850]  }
0xc6: {  	v8 =	vld [tilespmem:s26+$0x60];
	v2 =	vadd.f32 v6, v2  }
0xc7: {  	v3 =	vadd.f32 v3, v5;
	v5 =	vld [tilespmem:s5+$0x64E0]  }
0xc8: {  	v4 =	vadd.f32 v4, v9;
	[tilespmem:s26+$0xA0] =	vst v2;
	v2 =	vld [tilespmem:s26+$0x64A0]  }
0xc9: {  	v6 =	vld [tilespmem:$0xC8A0];
	[tilespmem:s5+$0xE0] =	vst v3  }
0xca: {  	[tilespmem:s26+$0x20] =	vst v4;
	v3 =	vadd.f32 v0, v16;
	v4 =	vld [tilespmem:$0xC8E0];
	v16 =	vmov v24  }
0xcb: {  	v9 =	vld [tilespmem:$0xC8A0]  }
0xcc: {  	v0 =	vld [tilespmem:s26+$0x6460];
	[tilespmem:s5+$0x50] =	vst v3  }
0xcd: {  	v3 =	vld [tilespmem:$0xC8D0]  }
0xce: {  	v2 =	vadd.f32 v6, v2;
	v6 =	vld [tilespmem:$0xC870]  }
0xcf: {  	v4 =	vadd.f32 v4, v5;
	v5 =	vld [tilespmem:s5+$0xF0]  }
0xd0: {  	v9 =	vadd.f32 v9, v23;
	[tilespmem:s26+$0x64A0] =	vst v2;
	v2 =	vld [tilespmem:s26+$0xB0]  }
0xd1: {  	v23 =	vld [tilespmem:$0xC830];
	[tilespmem:s5+$0x64E0] =	vst v4  }
0xd2: {  	[tilespmem:s26+$0x6420] =	vst v9;
	v3 =	vadd.f32 v3, v17;
	v4 =	vld [tilespmem:$0xC870];
	v17 =	vmov v7  }
0xd3: {  	v7 =	vld [tilespmem:$0xC830];
	v6 =	vadd.f32 v6, v13;
	v13 =	vmov v20  }
0xd4: {  	v20 =	vld [tilespmem:s26+$0x70];
	[tilespmem:s5+$0x6450] =	vst v3  }
0xd5: {  	v3 =	vld [tilespmem:$0xC860];
	[tilespmem:s6+$0x70] =	vst v6  }
0xd6: {  	v6 =	vadd.f32 v23, v2;
	v9 =	vld [tilespmem:$0xC8F0]  }
0xd7: {  	v23 =	vadd.f32 v4, v5;
	v2 =	vld [tilespmem:s5+$0x64F0]  }
0xd8: {  	v1 =	vadd.f32 v7, v1;
	[tilespmem:s26+$0xB0] =	vst v6;
	v4 =	vld [tilespmem:s26+$0x64B0]  }
.Ltmp0:
0xd9: {  	v5 =	vld [tilespmem:$0xC8B0];
	[tilespmem:s5+$0xF0] =	vst v23;
	(pc) =	sbr.rel @p0 .LBB2_2-.Ltmp0, $4  }
0xda: {  	[tilespmem:s26+$0x30] =	vst v1;
	v3 =	vadd.f32 v3, v18;
	v1 =	vld [tilespmem:$0xC8F0];
	v18 =	vmov v8  }
0xdb: {  	v6 =	vld [tilespmem:$0xC8B0];
	v7 =	vadd.f32 v9, v14;
	v14 =	vmov v21  }
0xdc: {  	v21 =	vld [tilespmem:s26+$0x6470];
	[tilespmem:s5+$0x60] =	vst v3  }
0xdd: {  	v3 =	vld [tilespmem:$0xC8E0];
	[tilespmem:s6+$0x6470] =	vst v7;
	s6 =	smov.u32 s5;
	s5 =	smov.u32 s26  }
0xde: {  	_ = 	snop  }
0xdf: {  	v4 =	vadd.f32 v5, v4  }
0xe0: {  	v6 =	vadd.f32 v6, v22  }
0xe1: {  	v30 =	vld [tilespmem:s5+$0xC0];
	[tilespmem:s5+$0x64B0] =	vst v4  }
0xe2: {  	v4 =	vld [tilespmem:$0xC840];
	[tilespmem:s5+$0x6430] =	vst v6  }
0xe3: {  	v6 =	vld [tilespmem:$0xC840];
	_ =	sdelay $0x3  }
0xe4: {  	v4 =	vadd.f32 v4, v30  }
0xe5: {  	v6 =	vadd.f32 v6, v15  }
0xe6: {  	v31 =	vld [tilespmem:s5+$0x64C0];
	[tilespmem:s5+$0xC0] =	vst v4  }
0xe7: {  	v4 =	vld [tilespmem:$0xC8C0];
	[tilespmem:s5+$0x40] =	vst v6  }
0xe8: {  	v6 =	vld [tilespmem:$0xC8C0];
	_ =	sdelay $0x3  }
0xe9: {  	v4 =	vadd.f32 v4, v31  }
0xea: {  	v6 =	vadd.f32 v6, v19  }
0xeb: {  	v32 =	vld [tilespmem:s5+$0xD0];
	[tilespmem:s5+$0x64C0] =	vst v4  }
0xec: {  	v4 =	vld [tilespmem:$0xC850];
	[tilespmem:s5+$0x6440] =	vst v6  }
0xed: {  	v6 =	vld [tilespmem:$0xC850];
	_ =	sdelay $0x3  }
0xee: {  	v4 =	vadd.f32 v4, v32  }
0xef: {  	v6 =	vadd.f32 v6, v16  }
0xf0: {  	v33 =	vld [tilespmem:s5+$0x64D0];
	[tilespmem:s5+$0xD0] =	vst v4  }
0xf1: {  	v4 =	vld [tilespmem:$0xC8D0];
	[tilespmem:s5+$0x50] =	vst v6  }
0xf2: {  	v6 =	vld [tilespmem:$0xC8D0];
	_ =	sdelay $0x3  }
0xf3: {  	v4 =	vadd.f32 v4, v33  }
0xf4: {  	v6 =	vadd.f32 v6, v17  }
0xf5: {  	v34 =	vld [tilespmem:s5+$0xE0];
	[tilespmem:s5+$0x64D0] =	vst v4  }
0xf6: {  	v4 =	vld [tilespmem:$0xC860];
	[tilespmem:s5+$0x6450] =	vst v6  }
0xf7: {  	v6 =	vld [tilespmem:$0xC860];
	_ =	sdelay $0x3  }
0xf8: {  	v4 =	vadd.f32 v4, v34  }
0xf9: {  	v6 =	vadd.f32 v6, v18  }
0xfa: {  	v35 =	vld [tilespmem:s5+$0x64E0];
	[tilespmem:s5+$0xE0] =	vst v4  }
0xfb: {  	v4 =	vld [tilespmem:$0xC8E0];
	[tilespmem:s5+$0x60] =	vst v6  }
0xfc: {  	v6 =	vld [tilespmem:$0xC8E0];
	_ =	sdelay $0x2  }
0xfd: {  	v3 =	vadd.f32 v3, v12  }
0xfe: {  	v4 =	vadd.f32 v4, v35  }
0xff: {  	v36 =	vld [tilespmem:s5+$0xF0];
	[tilespmem:s6+$0x6460] =	vst v3;
	v0 =	vadd.f32 v6, v0  }
0x100: {  	v37 =	vld [tilespmem:$0xC870];
	[tilespmem:s5+$0x64E0] =	vst v4  }
0x101: {  	v4 =	vld [tilespmem:$0xC870];
	[tilespmem:s5+$0x6460] =	vst v0  }
0x102: {  	v0 =	vld [tilespmem:$0xC870];
	_ =	sdelay $0x2  }
0x103: {  	v5 =	vadd.f32 v37, v13  }
0x104: {  	v3 =	vadd.f32 v4, v36  }
0x105: {  	v38 =	vld [tilespmem:s5+$0x64F0];
	[tilespmem:s6+$0x70] =	vst v5;
	v0 =	vadd.f32 v0, v20  }
0x106: {  	v5 =	vld [tilespmem:$0xC8F0];
	[tilespmem:s5+$0xF0] =	vst v3  }
0x107: {  	v3 =	vld [tilespmem:$0xC8F0];
	[tilespmem:s5+$0x70] =	vst v0  }
0x108: {  	v0 =	vld [tilespmem:$0xC8F0];
	_ =	sdelay $0x1  }
0x109: {  	v1 =	vadd.f32 v1, v2  }
0x10a: {  	v39 =	vadd.f32 v5, v14  }
0x10b: {  	[tilespmem:s6+$0x64F0] =	vst v1;
	v40 =	vadd.f32 v3, v38  }
0x10c: {  	[tilespmem:s6+$0x6470] =	vst v39;
	v0 =	vadd.f32 v0, v21  }
0x10d: {  	[tilespmem:s5+$0x64F0] =	vst v40  }
0x10e: {  	[tilespmem:s5+$0x6470] =	vst v0  }
0x10f: {  	v0 =	vld [tilespmem:$0x13B40]  }
0x110: {  	v41 =	vld [tilespmem:$0x13B50]  }
0x111: {  	v42 =	vld [tilespmem:$0x13B60]  }
0x112: {  	v43 =	vld [tilespmem:$0x13B80]  }
0x113: {  	v45 =	vld [tilespmem:$0x13B90]  }
0x114: {  	v46 =	vld [tilespmem:$0x13BA0];
	[tilespmem:$0x1FE50] =	vst v0  }
0x115: {  	v47 =	vld [tilespmem:$0x13BB0];
	[tilespmem:$0x1FE60] =	vst v41  }
0x116: {  	v52 =	vld [tilespmem:$0x13BC0];
	[tilespmem:$0x1FE70] =	vst v42  }
0x117: {  	v53 =	vld [tilespmem:$0x13BD0];
	[tilespmem:$0x1FE80] =	vst v43  }
0x118: {  	v56 =	vld [tilespmem:$0x13BE0];
	[tilespmem:$0x1FE90] =	vst v45  }
0x119: {  	v58 =	vld [tilespmem:$0x13BF0];
	[tilespmem:$0x1FEA0] =	vst v46  }
0x11a: {  	v51 =	vld [tilespmem:$0x13B00];
	[tilespmem:$0x1FEB0] =	vst v47  }
0x11b: {  	v62 =	vld [tilespmem:$0x13B20];
	[tilespmem:$0x1FEC0] =	vst v52  }
0x11c: {  	v61 =	vld [tilespmem:$0x13B10];
	[tilespmem:$0x1FED0] =	vst v53  }
0x11d: {  	v39 =	vld [tilespmem:$0x13B70];
	[tilespmem:$0x1FEE0] =	vst v56  }
0x11e: {  	v63 =	vld [tilespmem:$0x13B30];
	[tilespmem:$0x1FEF0] =	vst v58  }
0x11f: {  	[tilespmem:$0x1FF00] =	vst v51  }
0x120: {  	[tilespmem:$0x1FF10] =	vst v62  }
0x121: {  	[tilespmem:$0x1FF20] =	vst v61  }
0x122: {  	[tilespmem:$0x1FF30] =	vst v39  }
0x123: {  	s25 =	simm.s32 $0x0;
	s26 =	smov.u32 s13;
	s28 =	simm.s32 $0x0;
	[tilespmem:$0x1FF40] =	vst v63  }
.LBB2_4:
0x124: {  	s2 =	sadd.s32 $0xFFFFFFFC, s25  }
0x125: {  	s5 =	sadd.s32 $0x6, s2  }
0x126: {  	v0 =	vmov s5  }
0x127: {  	s6 =	sshll.u32 s28, $0x7;
	v0 =	vand.u32 $0xFFFFFFFE, v0  }
0x128: {  	s4 =	sand.u32 $0x3FFFFF80, s6;
	v0 =	vbroadcast v0, $0x0  }
0x129: {  	s5 =	sadd.s32 $0x10900, s4  }
0x12a: {  	[tilespmem:s22], [sflag:$0x1] =	stream.indirect.gather [hbm4b:s0+s21], $0x80, s5, s21, $0xb8;
	[tilespmem:$0x13C00] =	vst v63  }
0x12b: {  	_ =	swait.ge [sflag:s23], $0x4000  }
0x12c: {  	s14 =	smulhi.u32 $0x51EB851F, s26;
	[sflag:s23] =	ssyncset.done $0x0  }
0x12d: {  	[sflag:s23] =	ssyncadd.s32 $0xFFFFC000  }
0x12e: {  	s29 =	sadd.s32 $0x4, s2;
	s5 =	sshrl.u32 s14, $0x6;
	v0 =	vld.idx.msk [tilespmem:v0+s16+$0x0], $0xffff  }
0x12f: {  	v1 =	vmov s29;
	s5 =	smul.u32 $0xC8, s5  }
0x130: {  	s29 =	sadd.s32 $0x5, s2;
	s2 =	sadd.s32 $0x7, s2;
	v1 =	vand.u32 $0xFFFFFFFC, v1  }
0x131: {  	v2 =	vmov s29;
	v3 =	vmov s2;
	v1 =	vbroadcast v1, $0x0;
	s29 =	ssub.s32 s26, s5  }
0x132: {  	s5 =	sadd.s32 $0xFFFFFFFC, s29  }
0x133: {  	s30 =	sadd.s32 $0x6, s5;
	s31 =	sadd.s32 $0xFFFFFF3E, s5;
	v0 =	vmul.u32 $0xC8, v0  }
0x134: {  	v2 =	vand.u32 $0xFFFFFFFD, v2;
	s17 =	smin.u32 s30, s31  }
0x135: {  	v2 =	vbroadcast v2, $0x0;
	v0 =	vadd.s32 s17, v0  }
0x136: {  	v3 =	vld.idx.msk [tilespmem:v3+s16+$0x0], $0xffff;
	v0 =	vshll.u32 v0, $0x7  }
0x137: {  	s30 =	simm.s32 $0xCA00;
	v1 =	vld.idx.msk [tilespmem:v1+s16+$0x0], $0xffff;
	v6 =	vor.u32 v48, v0  }
0x138: {  	v7 =	vld [tilespmem:s30+$0x0]  }
0x139: {  	v8 =	vld [tilespmem:s30+$0x10];
	v4 =	vor.u32 v10, v0  }
0x13a: {  	v13 =	vld [tilespmem:s30+$0x20];
	v5 =	vor.u32 v11, v0  }
0x13b: {  	v2 =	vld.idx.msk [tilespmem:v2+s16+$0x0], $0xffff;
	v9 =	vor.u32 v49, v0  }
0x13c: {  	v6 =	vld.idx.msk [tilespmem:v6+s8+$0x0], $0xffff  }
0x13d: {  	v15 =	vld [tilespmem:s30+$0x30];
	v12 =	vor.u32 v44, v0  }
0x13e: {  	s18 =	sadd.s32 $0x4, s5;
	v14 =	vor.u32 v59, v0;
	v4 =	vld.idx.msk [tilespmem:v4+s8+$0x0], $0xffff  }
0x13f: {  	s3 =	sadd.s32 $0x5, s5;
	s4 =	sadd.s32 $0xFFFFFF3D, s5;
	s31 =	sadd.s32 $0xFFFFFF3C, s5;
	v5 =	vld.idx.msk [tilespmem:v5+s8+$0x0], $0xffff  }
0x140: {  	s2 =	smin.u32 s18, s31;
	s31 =	sadd.s32 $0x7, s5;
	s5 =	sadd.s32 $0xFFFFFF3F, s5;
	v3 =	vmul.u32 $0xC8, v3;
	v1 =	vmul.u32 $0xC8, v1;
	v9 =	vld.idx.msk [tilespmem:v9+s8+$0x0], $0xffff  }
0x141: {  	v17 =	vld [tilespmem:s30+$0x40];
	s14 =	smin.u32 s31, s5;
	v2 =	vmul.u32 $0xC8, v2;
	v21 =	vadd.f32 v13, v6  }
0x142: {  	s3 =	smin.u32 s3, s4;
	v3 =	vadd.s32 s14, v3;
	v1 =	vadd.s32 s2, v1;
	v16 =	vor.u32 v57, v0;
	v12 =	vld.idx.msk [tilespmem:v12+s8+$0x0], $0xffff  }
0x143: {  	v18 =	vshll.u32 v3, $0x7;
	v2 =	vadd.s32 s3, v2;
	v1 =	vshll.u32 v1, $0x7;
	v3 =	vld.idx.msk [tilespmem:v14+s8+$0x0], $0xffff;
	[tilespmem:$0x1F9E0] =	vst v21  }
0x144: {  	v0 =	vor.u32 v26, v0;
	v4 =	vadd.f32 v7, v4;
	v31 =	vadd.f32 v8, v5;
	v6 =	vld [tilespmem:s30+$0x50]  }
0x145: {  	v2 =	vshll.u32 v2, $0x7;
	v5 =	vor.u32 v10, v1;
	v22 =	vadd.f32 v15, v9  }
0x146: {  	v19 =	vor.u32 v10, v2;
	v7 =	vor.u32 v11, v1;
	v8 =	vadd.f32 v31, v4  }
0x147: {  	v13 =	vmul.f32 v4, v4;
	v14 =	vmul.f32 v31, v31;
	v16 =	vld.idx.msk [tilespmem:v16+s8+$0x0], $0xffff;
	[tilespmem:$0x1F9F0] =	vst v22  }
0x148: {  	v20 =	vor.u32 v11, v2;
	v23 =	vadd.f32 v17, v12;
	v9 =	vld [tilespmem:s30+$0x60];
	v8 =	vadd.f32 v21, v8  }
0x149: {  	v13 =	vadd.f32 v14, v13;
	v14 =	vmul.f32 v21, v21;
	v0 =	vld.idx.msk [tilespmem:v0+s8+$0x0], $0xffff;
	v17 =	vadd.f32 v6, v3  }
0x14a: {  	v15 =	vor.u32 v10, v18;
	v21 =	vor.u32 v11, v18;
	v5 =	vld.idx.msk [tilespmem:v5+s8+$0x0], $0xffff  }
0x14b: {  	v12 =	vld [tilespmem:s30+$0x70];
	v8 =	vadd.f32 v22, v8;
	v13 =	vadd.f32 v14, v13;
	v14 =	vmul.f32 v22, v22;
	[tilespmem:$0x1FA10] =	vst v17  }
0x14c: {  	v6 =	vld.idx.msk [tilespmem:v7+s8+$0x0], $0xffff;
	[tilespmem:$0x1FA00] =	vst v23  }
0x14d: {  	v3 =	vadd.f32 v23, v8;
	v8 =	vmul.f32 v23, v23;
	v7 =	vadd.f32 v14, v13;
	v13 =	vld.idx.msk [tilespmem:v19+s8+$0x0], $0xffff  }
0x14e: {  	v38 =	vadd.f32 v9, v16;
	v9 =	vld.idx.msk [tilespmem:v20+s8+$0x0], $0xffff  }
0x14f: {  	v14 =	vadd.f32 v17, v3;
	v15 =	vld.idx.msk [tilespmem:v15+s8+$0x0], $0xffff;
	v7 =	vadd.f32 v8, v7;
	v8 =	vmul.f32 v17, v17  }
0x150: {  	v33 =	vor.u32 v59, v1;
	v3 =	vadd.f32 v12, v0;
	v12 =	vld.idx.msk [tilespmem:v21+s8+$0x0], $0xffff  }
0x151: {  	v22 =	vld [tilespmem:s30+$0xFFFFFF10];
	v0 =	vadd.f32 v38, v14;
	v7 =	vadd.f32 v8, v7;
	v8 =	vmul.f32 v38, v38  }
0x152: {  	v42 =	vor.u32 v57, v1;
	v16 =	vor.u32 v48, v1;
	v32 =	vld [tilespmem:s30+$0x80];
	v17 =	vor.u32 v48, v2  }
0x153: {  	v14 =	vld [tilespmem:s30+$0xFFFFFF00];
	v0 =	vadd.f32 v3, v0;
	v7 =	vadd.f32 v8, v7;
	v8 =	vmul.f32 v3, v3  }
0x154: {  	v52 =	vmovc v11;
	v24 =	vor.u32 v49, v2;
	v35 =	vor.u32 v59, v2;
	v45 =	vor.u32 v57, v2;
	v23 =	vld [tilespmem:s30+$0xFFFFFF80]  }
0x155: {  	v11 =	vmovc v26;
	v20 =	vor.u32 v48, v18;
	v27 =	vld [tilespmem:s30+$0xFFFFFF90];
	v7 =	vadd.f32 v8, v7;
	v8 =	vperm.xlane v0, v60  }
0x156: {  	v26 =	vor.u32 v44, v2;
	v46 =	vor.u32 v11, v1;
	v19 =	vor.u32 v49, v1;
	v34 =	vld [tilespmem:s30+$0x90]  }
0x157: {  	v16 =	vld.idx.msk [tilespmem:v16+s8+$0x0], $0xffff;
	v43 =	vadd.f32 v22, v6;
	v8 =	vadd.f32 v0, v8;
	v29 =	vperm.xlane v7, v60  }
0x158: {  	v21 =	vor.u32 v44, v1;
	v41 =	vadd.f32 v32, v15;
	v0 =	vadd.f32 v14, v5;
	v5 =	vld.idx.msk [tilespmem:v17+s8+$0x0], $0xffff  }
0x159: {  	v14 =	vor.u32 v11, v2;
	v2 =	vld [tilespmem:s30+$0xFFFFFF20];
	v1 =	vperm.xlane v8, v55;
	v6 =	vadd.f32 v29, v7  }
0x15a: {  	v25 =	vor.u32 v49, v18;
	v7 =	vld.idx.msk [tilespmem:v20+s8+$0x0], $0xffff  }
0x15b: {  	v34 =	vadd.f32 v34, v12;
	v20 =	vld [tilespmem:s30+$0xFFFFFFA0];
	[tilespmem:$0x1FA40] =	vst v41;
	v1 =	vadd.f32 v8, v1;
	v8 =	vperm.xlane v6, v55  }
0x15c: {  	v30 =	vadd.f32 v27, v9;
	v15 =	vmul.f32 v43, v43;
	v29 =	vadd.f32 v23, v13;
	v9 =	vld [tilespmem:s30+$0xA0]  }
0x15d: {  	v23 =	vperm.xlane v1, v54;
	v6 =	vadd.f32 v8, v6;
	v8 =	vld.idx.msk [tilespmem:v19+s8+$0x0], $0xffff;
	[tilespmem:$0x1FA50] =	vst v34  }
0x15e: {  	v36 =	vadd.f32 v34, v41;
	v13 =	vadd.f32 v43, v0;
	v22 =	vmul.f32 v0, v0;
	v24 =	vld.idx.msk [tilespmem:v24+s8+$0x0], $0xffff  }
0x15f: {  	v28 =	vor.u32 v44, v18;
	v25 =	vld.idx.msk [tilespmem:v25+s8+$0x0], $0xffff;
	v23 =	vadd.f32 v1, v23;
	v1 =	vadd.f32 v2, v16  }
0x160: {  	v32 =	vmul.f32 v34, v34;
	v15 =	vadd.f32 v15, v22;
	v22 =	vld [tilespmem:s30+$0xFFFFFFB0];
	v34 =	vadd.f32 v20, v5  }
0x161: {  	v40 =	vperm.xlane v6, v54;
	v16 =	vperm.xlane v23, v50;
	v5 =	vadd.f32 v1, v13;
	v13 =	vld [tilespmem:s30+$0xB0]  }
0x162: {  	v37 =	vor.u32 v59, v18;
	v27 =	vmul.f32 v30, v30;
	v2 =	vld [tilespmem:s30+$0xFFFFFF30];
	v53 =	vadd.f32 v9, v7  }
0x163: {  	v47 =	vmul.f32 v41, v41;
	v6 =	vadd.f32 v40, v6;
	v7 =	vadd.f32 v23, v16;
	v16 =	vld.idx.msk [tilespmem:v21+s8+$0x0], $0xffff  }
0x164: {  	v12 =	vmul.f32 v29, v29;
	v19 =	vadd.f32 v30, v29;
	v21 =	vld.idx.msk [tilespmem:v26+s8+$0x0], $0xffff;
	[tilespmem:$0x1FA60] =	vst v53  }
0x165: {  	v9 =	vperm.xlane v6, v50;
	v23 =	vadd.f32 v53, v36;
	v36 =	vadd.f32 v22, v24;
	v24 =	vld [tilespmem:s30+$0xC0]  }
0x166: {  	v20 =	vmul.f32 v1, v1;
	v58 =	vmul.f32 $7.812500000e-03, v7;
	v7 =	vld.idx.msk [tilespmem:v28+s8+$0x0], $0xffff;
	v28 =	vadd.f32 v13, v25  }
0x167: {  	v17 =	vor.u32 v57, v18;
	v2 =	vadd.f32 v2, v8;
	v8 =	vld [tilespmem:s30+$0xFFFFFF40];
	v6 =	vadd.f32 v9, v6  }
0x168: {  	v12 =	vadd.f32 v27, v12;
	v15 =	vadd.f32 v20, v15;
	v26 =	vld [tilespmem:s30+$0xFFFFFFC0];
	v9 =	vor.u32 v11, v18;
	[tilespmem:$0x1FA70] =	vst v28  }
0x169: {  	v18 =	vadd.f32 v32, v47;
	v6 =	vmul.f32 $7.812500000e-03, v6;
	v20 =	vmul.f32 v58, v58;
	v13 =	vld.idx.msk [tilespmem:v33+s8+$0x0], $0xffff  }
0x16a: {  	v22 =	vadd.f32 v2, v5;
	v5 =	vmul.f32 v53, v53;
	v23 =	vadd.f32 v28, v23;
	v25 =	vld.idx.msk [tilespmem:v35+s8+$0x0], $0xffff  }
0x16b: {  	v6 =	vsub.f32 v6, v20;
	v32 =	vld.idx.msk [tilespmem:v37+s8+$0x0], $0xffff;
	v53 =	vadd.f32 v24, v7  }
0x16c: {  	v27 =	vmul.f32 v34, v34;
	v18 =	vadd.f32 v5, v18;
	v5 =	vadd.f32 v8, v16;
	v8 =	vld [tilespmem:s30+$0xFFFFFF50]  }
0x16d: {  	v47 =	vmul.f32 v28, v28;
	v28 =	vadd.f32 v26, v21;
	v26 =	vld [tilespmem:s30+$0xFFFFFFD0];
	v6 =	vadd.f32 $9.999999960e-13, v6;
	[tilespmem:$0x1FA80] =	vst v53  }
0x16e: {  	v19 =	vadd.f32 v34, v19;
	v12 =	vadd.f32 v27, v12;
	v7 =	vld [tilespmem:s30+$0xD0]  }
0x16f: {  	v20 =	vmul.f32 v2, v2;
	v16 =	vshra.s32 v6, $0x1;
	v21 =	vmul.f32 $5.000000000e-01, v6  }
0x170: {  	v19 =	vadd.f32 v36, v19;
	v27 =	vmul.f32 v36, v36;
	v16 =	vsub.s32 $0x5F3759DF, v16  }
0x171: {  	v15 =	vadd.f32 v20, v15;
	v20 =	vadd.f32 v5, v22;
	v22 =	vld.idx.msk [tilespmem:v42+s8+$0x0], $0xffff;
	v6 =	vmul.f32 v16, v21  }
0x172: {  	v12 =	vadd.f32 v27, v12;
	v3 =	vsub.f32 v3, v58;
	v24 =	vmul.f32 v5, v5;
	v27 =	vld.idx.msk [tilespmem:v45+s8+$0x0], $0xffff  }
0x173: {  	v17 =	vld.idx.msk [tilespmem:v17+s8+$0x0], $0xffff;
	v41 =	vadd.f32 v26, v25;
	v56 =	vmul.f32 v16, v6;
	v7 =	vadd.f32 v7, v32  }
0x174: {  	v25 =	vld [tilespmem:s30+$0xFFFFFFE0];
	v6 =	vsub.f32 v4, v58;
	v4 =	vadd.f32 v8, v13  }
0x175: {  	v8 =	vadd.f32 v24, v15;
	v13 =	vld [tilespmem:s30+$0xFFFFFF60];
	v24 =	vsub.f32 $1.500000000e+00, v56;
	[tilespmem:$0x1FA90] =	vst v7  }
0x176: {  	v18 =	vadd.f32 v47, v18;
	v19 =	vadd.f32 v28, v19;
	v45 =	vmul.f32 v28, v28;
	v47 =	vld [tilespmem:s30+$0xE0]  }
0x177: {  	v23 =	vadd.f32 v53, v23;
	v15 =	vmul.f32 v53, v53;
	v16 =	vmul.f32 v16, v24  }
0x178: {  	v12 =	vadd.f32 v45, v12;
	v53 =	vmul.f32 v41, v41;
	v26 =	vmul.f32 v4, v4  }
0x179: {  	v15 =	vadd.f32 v15, v18;
	v32 =	vadd.f32 v25, v27;
	v24 =	vld.idx.msk [tilespmem:v46+s8+$0x0], $0xffff;
	v18 =	vmul.f32 v16, v21  }
0x17a: {  	v23 =	vadd.f32 v7, v23;
	v14 =	vld.idx.msk [tilespmem:v14+s8+$0x0], $0xffff;
	v8 =	vadd.f32 v26, v8;
	v21 =	vmul.f32 v7, v7  }
0x17b: {  	v7 =	vadd.f32 v13, v22;
	v13 =	vld [tilespmem:s30+$0xFFFFFF70];
	v18 =	vmul.f32 v18, v16;
	v26 =	vadd.f32 v47, v17  }
0x17c: {  	v12 =	vadd.f32 v53, v12;
	v15 =	vadd.f32 v21, v15;
	v21 =	vld [tilespmem:s30+$0xFFFFFFF0]  }
0x17d: {  	v9 =	vld.idx.msk [tilespmem:v9+s8+$0x0], $0xffff;
	v25 =	vmul.f32 v32, v32;
	v22 =	vmul.f32 v7, v7;
	v18 =	vsub.f32 $1.500000000e+00, v18;
	[tilespmem:$0x1FAA0] =	vst v26  }
0x17e: {  	v19 =	vadd.f32 v41, v19;
	v20 =	vadd.f32 v4, v20;
	v17 =	vld [tilespmem:s30+$0xF0]  }
0x17f: {  	v25 =	vadd.f32 v25, v12;
	v8 =	vadd.f32 v22, v8;
	v37 =	vmul.f32 v18, v16  }
0x180: {  	v22 =	vadd.f32 v26, v23;
	v23 =	vmul.f32 v26, v26;
	v12 =	vadd.f32 v13, v24  }
0x181: {  	v20 =	vadd.f32 v7, v20;
	v35 =	vadd.f32 v21, v14;
	v14 =	vmul.f32 v37, v39  }
0x182: {  	v19 =	vadd.f32 v32, v19;
	v13 =	vadd.f32 v23, v15;
	v15 =	vmul.f32 v12, v12  }
0x183: {  	v3 =	vmul.f32 v14, v3;
	v18 =	vadd.f32 v17, v9;
	v9 =	vadd.f32 v12, v20  }
0x184: {  	v16 =	vadd.f32 v35, v19;
	v8 =	vadd.f32 v15, v8;
	v17 =	vmul.f32 v35, v35  }
0x185: {  	[tilespmem:$0x1FAE0] =	vst v3;
	v3 =	vadd.f32 v18, v22;
	v14 =	vmul.f32 v18, v18;
	v15 =	vperm.xlane v9, v60  }
0x186: {  	[tilespmem:$0x1FAB0] =	vst v18;
	v17 =	vadd.f32 v17, v25;
	v18 =	vperm.xlane v16, v60  }
0x187: {  	v19 =	vperm.xlane v3, v60;
	v13 =	vadd.f32 v14, v13;
	v9 =	vadd.f32 v9, v15  }
0x188: {  	v14 =	vperm.xlane v8, v60;
	v15 =	vperm.xlane v17, v60;
	v16 =	vadd.f32 v16, v18  }
0x189: {  	s17 =	sadd.s32 $0x0, s25;
	v3 =	vadd.f32 v3, v19;
	v18 =	vperm.xlane v13, v60;
	v19 =	vperm.xlane v9, v55  }
0x18a: {  	s5 =	sadd.s32 $0x5, s17;
	v8 =	vadd.f32 v14, v8;
	v14 =	vadd.f32 v15, v17;
	v15 =	vperm.xlane v16, v55  }
0x18b: {  	v26 =	vmov s5;
	v17 =	vperm.xlane v3, v55;
	v13 =	vadd.f32 v18, v13  }
0x18c: {  	v9 =	vadd.f32 v9, v19;
	v18 =	vperm.xlane v8, v55;
	v15 =	vadd.f32 v16, v15  }
0x18d: {  	v19 =	vperm.xlane v14, v55;
	v3 =	vadd.f32 v3, v17;
	v16 =	vperm.xlane v13, v55  }
0x18e: {  	v17 =	vperm.xlane v9, v54;
	v8 =	vadd.f32 v18, v8;
	v18 =	vperm.xlane v15, v54  }
0x18f: {  	v14 =	vadd.f32 v19, v14;
	v19 =	vperm.xlane v3, v54;
	v13 =	vadd.f32 v16, v13  }
0x190: {  	v9 =	vadd.f32 v9, v17;
	v16 =	vperm.xlane v8, v54;
	v15 =	vadd.f32 v15, v18  }
0x191: {  	v17 =	vperm.xlane v14, v54;
	v3 =	vadd.f32 v3, v19;
	v18 =	vperm.xlane v13, v54  }
0x192: {  	v19 =	vperm.xlane v9, v50;
	v8 =	vadd.f32 v16, v8;
	v16 =	vperm.xlane v15, v50  }
0x193: {  	v14 =	vadd.f32 v17, v14;
	v17 =	vperm.xlane v3, v50;
	v13 =	vadd.f32 v18, v13  }
0x194: {  	v9 =	vadd.f32 v9, v19;
	v18 =	vperm.xlane v8, v50;
	v15 =	vadd.f32 v15, v16  }
0x195: {  	v19 =	vperm.xlane v14, v50;
	v3 =	vadd.f32 v3, v17;
	v16 =	vperm.xlane v13, v50  }
0x196: {  	v9 =	vmul.f32 $7.812500000e-03, v9;
	v8 =	vadd.f32 v18, v8;
	v45 =	vmul.f32 $7.812500000e-03, v15  }
0x197: {  	v14 =	vadd.f32 v19, v14;
	v18 =	vmul.f32 v37, v61;
	v42 =	vmul.f32 $7.812500000e-03, v3  }
0x198: {  	v3 =	vadd.f32 v16, v13;
	v8 =	vmul.f32 $7.812500000e-03, v8;
	v13 =	vmul.f32 v9, v9  }
0x199: {  	v15 =	vsub.f32 v31, v58;
	v14 =	vmul.f32 $7.812500000e-03, v14;
	v16 =	vmul.f32 v45, v45  }
0x19a: {  	s18 =	sadd.s32 $0x6, s17;
	v0 =	vsub.f32 v0, v9;
	v8 =	vsub.f32 v8, v13;
	v3 =	vmul.f32 $7.812500000e-03, v3  }
0x19b: {  	v13 =	vmul.f32 v42, v42;
	v14 =	vsub.f32 v14, v16;
	v16 =	vmov s18  }
0x19c: {  	v17 =	vsub.f32 v43, v9;
	v16 =	vand.u32 $0xFFFFFFFE, v16;
	v8 =	vadd.f32 $9.999999960e-13, v8  }
0x19d: {  	v3 =	vsub.f32 v3, v13;
	v13 =	vadd.f32 $9.999999960e-13, v14;
	v14 =	vbroadcast v16, $0x0  }
0x19e: {  	v1 =	vsub.f32 v1, v9;
	v2 =	vsub.f32 v2, v9;
	v19 =	vshra.s32 v8, $0x1  }
0x19f: {  	v8 =	vmul.f32 $5.000000000e-01, v8;
	v3 =	vadd.f32 $9.999999960e-13, v3;
	v20 =	vshra.s32 v13, $0x1  }
0x1a0: {  	v21 =	vmul.f32 $5.000000000e-01, v13;
	v19 =	vsub.s32 $0x5F3759DF, v19;
	v20 =	vsub.s32 $0x5F3759DF, v20  }
0x1a1: {  	v13 =	vshra.s32 v3, $0x1;
	v3 =	vmul.f32 $5.000000000e-01, v3;
	v22 =	vmul.f32 v19, v8  }
0x1a2: {  	v16 =	vmul.f32 v37, v51;
	v23 =	vmul.f32 v20, v21;
	v24 =	vsub.s32 $0x5F3759DF, v13  }
0x1a3: {  	s4 =	sadd.s32 $0x4, s17;
	v7 =	vsub.f32 v7, v9;
	v25 =	vmul.f32 v24, v3;
	v22 =	vmul.f32 v19, v22;
	v14 =	vld.idx.msk [tilespmem:v14+s16+$0x0], $0xffff  }
0x1a4: {  	v13 =	vsub.f32 v5, v9;
	v5 =	vmov s4;
	v23 =	vmul.f32 v20, v23  }
0x1a5: {  	v5 =	vand.u32 $0xFFFFFFFC, v5;
	v25 =	vmul.f32 v24, v25;
	v22 =	vsub.f32 $1.500000000e+00, v22  }
0x1a6: {  	v6 =	vmul.f32 v16, v6;
	v27 =	vbroadcast v5, $0x0;
	v23 =	vsub.f32 $1.500000000e+00, v23  }
0x1a7: {  	s2 =	sadd.s32 $0x0, s29;
	v5 =	vand.u32 $0xFFFFFFFD, v26;
	v16 =	vsub.f32 $1.500000000e+00, v25;
	v19 =	vmul.f32 v19, v22  }
0x1a8: {  	s3 =	sadd.s32 $0x7, s17;
	s14 =	sadd.s32 $0x6, s2;
	s17 =	sadd.s32 $0xFFFFFF3E, s2;
	[tilespmem:$0x1FAF0] =	vst v6;
	v6 =	vbroadcast v5, $0x0;
	v20 =	vmul.f32 v20, v23;
	v14 =	vmul.u32 $0xC8, v14  }
0x1a9: {  	s18 =	smin.u32 s14, s17;
	v5 =	vsub.f32 v4, v9;
	v16 =	vmul.f32 v24, v16;
	v4 =	vmul.f32 v19, v8  }
0x1aa: {  	v22 =	vmov s3;
	v8 =	vadd.s32 s18, v14;
	v14 =	vmul.f32 v20, v21  }
0x1ab: {  	v8 =	vshll.u32 v8, $0x7;
	v3 =	vmul.f32 v16, v3;
	v21 =	vmul.f32 v4, v19  }
0x1ac: {  	v4 =	vsub.f32 v12, v9;
	v12 =	vmul.f32 v18, v15;
	v9 =	vmul.f32 v14, v20  }
0x1ad: {  	v23 =	vld.idx.msk [tilespmem:v27+s16+$0x0], $0xffff;
	v24 =	vor.u32 v10, v8;
	v3 =	vmul.f32 v3, v16;
	v21 =	vsub.f32 $1.500000000e+00, v21  }
0x1ae: {  	v6 =	vld.idx.msk [tilespmem:v6+s16+$0x0], $0xffff;
	v14 =	vor.u32 v52, v8;
	v9 =	vsub.f32 $1.500000000e+00, v9  }
0x1af: {  	s31 =	simm.s32 $0xCC00;
	v22 =	vld.idx.msk [tilespmem:v22+s16+$0x0], $0xffff;
	v25 =	vor.u32 v48, v8;
	[tilespmem:$0x1FB00] =	vst v12;
	v18 =	vsub.f32 $1.500000000e+00, v3;
	v19 =	vmul.f32 v21, v19  }
0x1b0: {  	v33 =	vmov v51;
	v15 =	vld [tilespmem:s31+$0x0];
	v31 =	vmul.f32 v9, v20  }
0x1b1: {  	v21 =	vld [tilespmem:s31+$0x10];
	v20 =	vsub.f32 v36, v45;
	v51 =	vmul.f32 v18, v16;
	v16 =	vmul.f32 v19, v33  }
0x1b2: {  	v26 =	vor.u32 v49, v8;
	v9 =	vld.idx.msk [tilespmem:v24+s8+$0x0], $0xffff  }
0x1b3: {  	v14 =	vld.idx.msk [tilespmem:v14+s8+$0x0], $0xffff;
	[tilespmem:$0x1FA20] =	vst v20;
	v20 =	vmul.f32 v19, v61;
	v0 =	vmul.f32 v16, v0  }
0x1b4: {  	v3 =	vsub.f32 v30, v45;
	v24 =	vmul.f32 v19, v62;
	v25 =	vld.idx.msk [tilespmem:v25+s8+$0x0], $0xffff  }
0x1b5: {  	v18 =	vor.u32 v44, v8;
	v27 =	vmul.f32 v19, v63;
	v30 =	vld [tilespmem:s31+$0x20];
	[tilespmem:$0x1FB10] =	vst v0;
	v0 =	vmul.f32 v20, v17  }
0x1b6: {  	v1 =	vmul.f32 v24, v1  }
0x1b7: {  	v56 =	vor.u32 v59, v8;
	v2 =	vmul.f32 v27, v2;
	[tilespmem:$0x1FB20] =	vst v0  }
0x1b8: {  	v16 =	vld.idx.msk [tilespmem:v26+s8+$0x0], $0xffff;
	[tilespmem:$0x1FB30] =	vst v1  }
0x1b9: {  	s5 =	sadd.s32 $0xFFFFFF3C, s2;
	s4 =	sadd.s32 $0x4, s2;
	v1 =	vmul.u32 $0xC8, v6;
	v6 =	vld [tilespmem:s31+$0x30];
	[tilespmem:$0x1FB40] =	vst v2  }
0x1ba: {  	s17 =	sadd.s32 $0x5, s2;
	s14 =	sadd.s32 $0xFFFFFF3D, s2;
	s3 =	smin.u32 s4, s5;
	v17 =	vor.u32 v57, v8;
	v8 =	vor.u32 v11, v8;
	v0 =	vmul.u32 $0xC8, v23;
	v18 =	vld.idx.msk [tilespmem:v18+s8+$0x0], $0xffff  }
0x1bb: {  	s5 =	smin.u32 s17, s14;
	s18 =	sadd.s32 $0x7, s2;
	s2 =	sadd.s32 $0xFFFFFF3F, s2;
	v24 =	vadd.f32 v21, v14;
	v36 =	vadd.f32 v30, v25;
	v2 =	vmul.u32 $0xC8, v22;
	v22 =	vld [tilespmem:s31+$0x40]  }
0x1bc: {  	s2 =	smin.u32 s18, s2;
	v23 =	vadd.f32 v15, v9;
	v0 =	vadd.s32 s3, v0;
	v20 =	vadd.s32 s5, v1;
	v9 =	vld.idx.msk [tilespmem:v56+s8+$0x0], $0xffff  }
0x1bd: {  	v1 =	vshll.u32 v0, $0x7;
	v0 =	vadd.s32 s2, v2;
	v2 =	vshll.u32 v20, $0x7;
	v20 =	vld [tilespmem:s31+$0x50];
	[tilespmem:$0x1FCF0] =	vst v36  }
0x1be: {  	v27 =	vmov v52;
	v40 =	vmul.f32 v24, v24;
	[tilespmem:$0x1FC40] =	vst v23  }
0x1bf: {  	v43 =	vld [tilespmem:$0x1FE50];
	v21 =	vmul.f32 v23, v23;
	v14 =	vor.u32 v10, v1;
	[tilespmem:$0x1FC50] =	vst v24;
	v47 =	vadd.f32 v6, v16  }
0x1c0: {  	v30 =	vmovc v24;
	v15 =	vor.u32 v52, v1;
	v17 =	vld.idx.msk [tilespmem:v17+s8+$0x0], $0xffff;
	v0 =	vshll.u32 v0, $0x7;
	v24 =	vor.u32 v10, v2  }
0x1c1: {  	v25 =	vor.u32 v27, v2;
	v26 =	vld [tilespmem:s31+$0x60];
	v56 =	vor.u32 v27, v0;
	v27 =	vadd.f32 v30, v23;
	[tilespmem:$0x1FD10] =	vst v47  }
0x1c2: {  	v6 =	vadd.f32 v40, v21;
	v16 =	vmul.f32 v36, v36;
	v8 =	vld.idx.msk [tilespmem:v8+s8+$0x0], $0xffff  }
0x1c3: {  	v21 =	vor.u32 v10, v0;
	v10 =	vadd.f32 v22, v18;
	v22 =	vadd.f32 v36, v27;
	v30 =	vld [tilespmem:s31+$0x70]  }
0x1c4: {  	v6 =	vadd.f32 v16, v6;
	v16 =	vmul.f32 v47, v47;
	v14 =	vld.idx.msk [tilespmem:v14+s8+$0x0], $0xffff  }
0x1c5: {  	v46 =	vadd.f32 v20, v9;
	v9 =	vld.idx.msk [tilespmem:v15+s8+$0x0], $0xffff;
	[tilespmem:$0x1FD20] =	vst v10;
	v22 =	vadd.f32 v47, v22  }
0x1c6: {  	v12 =	vsub.f32 v29, v45;
	v6 =	vadd.f32 v16, v6;
	v16 =	vmul.f32 v10, v10;
	v20 =	vld.idx.msk [tilespmem:v24+s8+$0x0], $0xffff  }
0x1c7: {  	v29 =	vmul.f32 v19, v43;
	v18 =	vor.u32 v48, v1;
	v22 =	vadd.f32 v10, v22;
	v10 =	vmovc v61;
	v61 =	vld [tilespmem:$0x1FE60]  }
0x1c8: {  	v53 =	vadd.f32 v26, v17;
	v24 =	vld.idx.msk [tilespmem:v25+s8+$0x0], $0xffff;
	v25 =	vmul.f32 v46, v46;
	v16 =	vadd.f32 v16, v6  }
0x1c9: {  	v36 =	vld [tilespmem:$0x1FE70];
	v15 =	vor.u32 v48, v2;
	v6 =	vmul.f32 v29, v13  }
0x1ca: {  	v17 =	vor.u32 v48, v0;
	[tilespmem:$0x1FD40] =	vst v46;
	v16 =	vadd.f32 v25, v16;
	v25 =	vmul.f32 v53, v53  }
0x1cb: {  	v21 =	vld.idx.msk [tilespmem:v21+s8+$0x0], $0xffff;
	[tilespmem:$0x1FB50] =	vst v6  }
0x1cc: {  	v23 =	vld.idx.msk [tilespmem:v56+s8+$0x0], $0xffff;
	[tilespmem:$0x1FD60] =	vst v53;
	v16 =	vadd.f32 v25, v16;
	v25 =	vmul.f32 v19, v61  }
0x1cd: {  	v18 =	vld.idx.msk [tilespmem:v18+s8+$0x0], $0xffff  }
0x1ce: {  	v26 =	vmul.f32 v19, v36;
	v15 =	vld.idx.msk [tilespmem:v15+s8+$0x0], $0xffff;
	v5 =	vmul.f32 v25, v5  }
0x1cf: {  	v17 =	vld.idx.msk [tilespmem:v17+s8+$0x0], $0xffff  }
0x1d0: {  	v27 =	vld [tilespmem:s31+$0xFFFFFF00];
	[tilespmem:$0x1FB60] =	vst v5;
	v5 =	vmul.f32 v26, v7  }
0x1d1: {  	v13 =	vor.u32 v49, v1  }
0x1d2: {  	[tilespmem:$0x1FB70] =	vst v5;
	v5 =	vld [tilespmem:$0x1F9E0]  }
0x1d3: {  	v29 =	vadd.f32 v30, v8;
	v7 =	vld [tilespmem:$0x1F9F0];
	_ =	sdelay $0x1  }
0x1d4: {  	v22 =	vadd.f32 v46, v22;
	v8 =	vor.u32 v49, v2;
	[tilespmem:$0x1FC10] =	vst v29  }
0x1d5: {  	v13 =	vld.idx.msk [tilespmem:v13+s8+$0x0], $0xffff  }
0x1d6: {  	v52 =	vmov v43;
	v22 =	vadd.f32 v53, v22;
	v43 =	vsub.f32 v5, v58;
	v5 =	vld [tilespmem:$0x1FA00]  }
0x1d7: {  	v19 =	vmul.f32 v19, v39;
	v53 =	vsub.f32 v7, v58;
	v7 =	vld [tilespmem:$0x1FA10]  }
0x1d8: {  	v40 =	vsub.f32 v28, v45;
	v28 =	vmul.f32 v29, v29;
	v22 =	vadd.f32 v29, v22;
	v26 =	vld [tilespmem:s31+$0xFFFFFF10]  }
0x1d9: {  	v34 =	vsub.f32 v34, v45;
	v35 =	vsub.f32 v35, v45;
	v4 =	vmul.f32 v19, v4;
	v8 =	vld.idx.msk [tilespmem:v8+s8+$0x0], $0xffff  }
0x1da: {  	v16 =	vadd.f32 v28, v16;
	v25 =	vor.u32 v49, v0;
	v29 =	vperm.xlane v22, v60;
	v28 =	vld [tilespmem:s31+$0xFFFFFF80]  }
0x1db: {  	[tilespmem:$0x1FB80] =	vst v4;
	v4 =	vmul.f32 v31, v33;
	v46 =	vsub.f32 v5, v58;
	v5 =	vsub.f32 v38, v58  }
0x1dc: {  	v6 =	vsub.f32 v41, v45;
	v49 =	vsub.f32 v7, v58;
	v58 =	vperm.xlane v16, v60  }
0x1dd: {  	v56 =	vsub.f32 v32, v45;
	v22 =	vadd.f32 v22, v29;
	v4 =	vmul.f32 v4, v12;
	[tilespmem:$0x1FA30] =	vst v5  }
0x1de: {  	v29 =	vadd.f32 v26, v9;
	v9 =	vadd.f32 v58, v16;
	v19 =	vld [tilespmem:s31+$0xFFFFFF90]  }
0x1df: {  	v16 =	vperm.xlane v22, v55;
	v5 =	vadd.f32 v28, v20;
	v20 =	vmul.f32 v31, v10;
	v47 =	vld [tilespmem:s31+$0x80];
	[tilespmem:$0x1FB90] =	vst v4  }
0x1e0: {  	v45 =	vor.u32 v44, v1;
	v30 =	vadd.f32 v27, v14;
	v12 =	vor.u32 v44, v2;
	v4 =	vld.idx.msk [tilespmem:v25+s8+$0x0], $0xffff  }
0x1e1: {  	v14 =	vld [tilespmem:s31+$0x90];
	v16 =	vadd.f32 v22, v16;
	v27 =	vperm.xlane v9, v55;
	v3 =	vmul.f32 v20, v3  }
0x1e2: {  	v25 =	vor.u32 v44, v0;
	v26 =	vld [tilespmem:s31+$0xFFFFFF20]  }
0x1e3: {  	v22 =	vor.u32 v59, v1;
	v28 =	vld [tilespmem:s31+$0xFFFFFFA0];
	[tilespmem:$0x1FBA0] =	vst v3;
	v9 =	vadd.f32 v27, v9;
	v20 =	vperm.xlane v16, v54  }
0x1e4: {  	v41 =	vmovc v39;
	v7 =	vadd.f32 v19, v24;
	v39 =	vadd.f32 v47, v21;
	v19 =	vor.u32 v59, v2;
	v21 =	vld [tilespmem:s31+$0xA0]  }
0x1e5: {  	v3 =	vld.idx.msk [tilespmem:v45+s8+$0x0], $0xffff  }
0x1e6: {  	v16 =	vadd.f32 v16, v20;
	v20 =	vperm.xlane v9, v54;
	v27 =	vadd.f32 v14, v23;
	v14 =	vld.idx.msk [tilespmem:v12+s8+$0x0], $0xffff  }
0x1e7: {  	v12 =	vmul.f32 v30, v30;
	v23 =	vmul.f32 v29, v29;
	v47 =	vadd.f32 v26, v18;
	v18 =	vld.idx.msk [tilespmem:v25+s8+$0x0], $0xffff  }
0x1e8: {  	v44 =	vadd.f32 v28, v15;
	v15 =	vld.idx.msk [tilespmem:v22+s8+$0x0], $0xffff;
	[tilespmem:$0x1FC60] =	vst v5;
	v9 =	vadd.f32 v20, v9  }
0x1e9: {  	v20 =	vmul.f32 v5, v5;
	v32 =	vadd.f32 v21, v17;
	v17 =	vld.idx.msk [tilespmem:v19+s8+$0x0], $0xffff;
	v19 =	vmul.f32 v7, v7  }
0x1ea: {  	v48 =	vmovc v63;
	v63 =	vmov v62;
	v22 =	vor.u32 v59, v0;
	v12 =	vadd.f32 v23, v12;
	v23 =	vld [tilespmem:s31+$0xFFFFFF30];
	[tilespmem:$0x1FC70] =	vst v7  }
0x1eb: {  	v24 =	vperm.xlane v16, v50;
	[tilespmem:$0x1FD80] =	vst v39;
	v19 =	vadd.f32 v19, v20;
	v20 =	vmul.f32 v31, v63  }
0x1ec: {  	[tilespmem:$0x1FDA0] =	vst v27  }
0x1ed: {  	v16 =	vadd.f32 v16, v24;
	v26 =	vperm.xlane v9, v50;
	v25 =	vld [tilespmem:s31+$0xFFFFFFB0];
	v10 =	vmul.f32 v20, v34  }
0x1ee: {  	v38 =	vmov v27;
	v24 =	vmul.f32 v27, v27;
	v28 =	vld [tilespmem:s31+$0xB0]  }
0x1ef: {  	v27 =	vmul.f32 v47, v47;
	v9 =	vadd.f32 v26, v9;
	v58 =	vmul.f32 $7.812500000e-03, v16;
	v16 =	vld.idx.msk [tilespmem:v22+s8+$0x0], $0xffff;
	[tilespmem:$0x1FBB0] =	vst v10  }
0x1f0: {  	v62 =	vmov v48;
	v21 =	vmul.f32 v39, v39;
	v48 =	vadd.f32 v23, v13;
	v20 =	vld [tilespmem:s31+$0xFFFFFF40]  }
0x1f1: {  	v13 =	vadd.f32 v27, v12;
	v9 =	vmul.f32 $7.812500000e-03, v9;
	v12 =	vmul.f32 v58, v58  }
0x1f2: {  	v22 =	vor.u32 v57, v1;
	v10 =	vld [tilespmem:$0x1FA20]  }
0x1f3: {  	v21 =	vadd.f32 v24, v21;
	v24 =	vmul.f32 v44, v44;
	v12 =	vsub.f32 v9, v12;
	v23 =	vld [tilespmem:s31+$0xFFFFFFC0];
	[tilespmem:$0x1FC90] =	vst v44  }
0x1f4: {  	v45 =	vadd.f32 v25, v8;
	v8 =	vor.u32 v57, v2;
	v34 =	vadd.f32 v28, v4;
	v25 =	vld [tilespmem:s31+$0xC0];
	[tilespmem:$0x1FDB0] =	vst v32  }
0x1f5: {  	v4 =	vmul.f32 v32, v32;
	v9 =	vld [tilespmem:s31+$0xFFFFFF50];
	v28 =	vadd.f32 v20, v3;
	v3 =	vmul.f32 v31, v62  }
0x1f6: {  	v19 =	vadd.f32 v24, v19;
	v24 =	vor.u32 v57, v0;
	v26 =	vmul.f32 v48, v48;
	v27 =	vld [tilespmem:s31+$0xFFFFFFD0]  }
0x1f7: {  	v4 =	vadd.f32 v4, v21;
	v21 =	vld.idx.msk [tilespmem:v22+s8+$0x0], $0xffff;
	v3 =	vmul.f32 v3, v10  }
0x1f8: {  	v13 =	vadd.f32 v26, v13;
	v22 =	vmul.f32 v45, v45;
	v20 =	vld [tilespmem:s31+$0xD0];
	[tilespmem:$0x1FDC0] =	vst v34;
	v57 =	vadd.f32 v23, v14  }
0x1f9: {  	v23 =	vadd.f32 v25, v18;
	v8 =	vld.idx.msk [tilespmem:v8+s8+$0x0], $0xffff;
	v14 =	vmul.f32 v28, v28;
	[tilespmem:$0x1FBC0] =	vst v3  }
0x1fa: {  	v26 =	vmul.f32 v34, v34;
	v10 =	vadd.f32 v9, v15;
	v3 =	vadd.f32 v22, v19;
	v19 =	vld [tilespmem:s31+$0xFFFFFF60]  }
0x1fb: {  	v9 =	vadd.f32 v14, v13;
	v14 =	vmul.f32 v57, v57;
	v13 =	vld.idx.msk [tilespmem:v24+s8+$0x0], $0xffff;
	[tilespmem:$0x1FCC0] =	vst v57  }
0x1fc: {  	v18 =	vadd.f32 v26, v4;
	v15 =	vmul.f32 v23, v23;
	[tilespmem:$0x1FDD0] =	vst v23  }
0x1fd: {  	v4 =	vadd.f32 v20, v16;
	v16 =	vld [tilespmem:s31+$0xFFFFFFE0];
	v3 =	vadd.f32 v14, v3;
	v14 =	vmul.f32 v31, v52  }
0x1fe: {  	v25 =	vadd.f32 v27, v17  }
0x1ff: {  	v15 =	vadd.f32 v15, v18;
	v18 =	vor.u32 v11, v1;
	v20 =	vld [tilespmem:s31+$0xE0];
	v1 =	vmul.f32 v14, v40  }
0x200: {  	v17 =	vmul.f32 v10, v10  }
0x201: {  	v2 =	vor.u32 v11, v2;
	v22 =	vmul.f32 v25, v25;
	[tilespmem:$0x1FBD0] =	vst v1;
	v1 =	vadd.f32 v19, v21  }
0x202: {  	v9 =	vadd.f32 v17, v9;
	v59 =	vadd.f32 v16, v8;
	v8 =	vmul.f32 v31, v61  }
0x203: {  	v17 =	vmul.f32 v4, v4;
	v14 =	vadd.f32 v22, v3;
	v16 =	vmul.f32 v1, v1  }
0x204: {  	[tilespmem:$0x1FCD0] =	vst v25;
	v3 =	vadd.f32 v20, v13;
	v13 =	vor.u32 v11, v0;
	v0 =	vmul.f32 v8, v6  }
0x205: {  	[tilespmem:$0x1FDE0] =	vst v4;
	v8 =	vadd.f32 v16, v9;
	v16 =	vmul.f32 v31, v36  }
0x206: {  	v15 =	vadd.f32 v17, v15;
	v6 =	vadd.f32 v29, v30;
	[tilespmem:$0x1FBE0] =	vst v0  }
0x207: {  	v17 =	vadd.f32 v7, v5;
	v20 =	vmul.f32 v31, v41;
	v9 =	vld.idx.msk [tilespmem:v18+s8+$0x0], $0xffff;
	v0 =	vmul.f32 v16, v56  }
0x208: {  	v22 =	vmul.f32 v59, v59;
	v21 =	vadd.f32 v47, v6;
	v18 =	vadd.f32 v38, v39;
	v19 =	vld [tilespmem:s31+$0xFFFFFF70]  }
0x209: {  	v2 =	vld.idx.msk [tilespmem:v2+s8+$0x0], $0xffff;
	v16 =	vadd.f32 v44, v17;
	[tilespmem:$0x1FBF0] =	vst v0;
	v0 =	vmul.f32 v20, v35  }
0x20a: {  	v17 =	vadd.f32 v32, v18;
	v20 =	vadd.f32 v48, v21;
	v21 =	vmul.f32 v37, v63  }
0x20b: {  	v18 =	vld [tilespmem:s31+$0xFFFFFFF0];
	[tilespmem:$0x1FC00] =	vst v0  }
0x20c: {  	v14 =	vadd.f32 v22, v14;
	v17 =	vadd.f32 v34, v17;
	v0 =	vmul.f32 v21, v43;
	v13 =	vld.idx.msk [tilespmem:v13+s8+$0x0], $0xffff  }
0x20d: {  	v22 =	vld [tilespmem:s31+$0xF0];
	v9 =	vadd.f32 v19, v9;
	v19 =	vadd.f32 v28, v20;
	v20 =	vmul.f32 v37, v62  }
0x20e: {  	v16 =	vadd.f32 v45, v16  }
0x20f: {  	[tilespmem:$0x1FC20] =	vst v0;
	v17 =	vadd.f32 v23, v17;
	v0 =	vmul.f32 v20, v53  }
0x210: {  	v16 =	vadd.f32 v57, v16  }
0x211: {  	v17 =	vadd.f32 v4, v17;
	[tilespmem:$0x1FC30] =	vst v0;
	v0 =	vadd.f32 v18, v2  }
0x212: {  	v2 =	vadd.f32 v10, v19;
	v4 =	vadd.f32 v22, v13;
	v13 =	vmul.f32 v3, v3  }
0x213: {  	v16 =	vadd.f32 v25, v16;
	v18 =	vmul.f32 v37, v52;
	v17 =	vadd.f32 v3, v17  }
0x214: {  	v2 =	vadd.f32 v1, v2;
	v13 =	vadd.f32 v13, v15;
	v15 =	vmul.f32 v9, v9  }
0x215: {  	v16 =	vadd.f32 v59, v16;
	v44 =	vmul.f32 v18, v46;
	v17 =	vadd.f32 v4, v17  }
0x216: {  	v2 =	vadd.f32 v9, v2;
	v8 =	vadd.f32 v15, v8;
	v15 =	vmul.f32 v4, v4  }
0x217: {  	v16 =	vadd.f32 v0, v16;
	v18 =	vmul.f32 v0, v0;
	v20 =	vperm.xlane v17, v60  }
0x218: {  	v19 =	vperm.xlane v2, v60;
	v13 =	vadd.f32 v15, v13;
	v15 =	vperm.xlane v8, v60  }
0x219: {  	v14 =	vadd.f32 v18, v14;
	v18 =	vperm.xlane v16, v60;
	v17 =	vadd.f32 v17, v20  }
0x21a: {  	v2 =	vadd.f32 v2, v19;
	v8 =	vadd.f32 v15, v8;
	v15 =	vperm.xlane v13, v60  }
0x21b: {  	v16 =	vadd.f32 v16, v18;
	v18 =	vperm.xlane v14, v60;
	v20 =	vperm.xlane v17, v55  }
0x21c: {  	v19 =	vperm.xlane v2, v55;
	v13 =	vadd.f32 v15, v13;
	v15 =	vperm.xlane v8, v55  }
0x21d: {  	v14 =	vadd.f32 v18, v14;
	v18 =	vperm.xlane v16, v55;
	v17 =	vadd.f32 v17, v20  }
0x21e: {  	v2 =	vadd.f32 v2, v19;
	v8 =	vadd.f32 v15, v8;
	v15 =	vperm.xlane v13, v55  }
0x21f: {  	v16 =	vadd.f32 v16, v18;
	v18 =	vperm.xlane v14, v55  }
0x220: {  	v20 =	vperm.xlane v17, v54;
	v19 =	vperm.xlane v2, v54;
	v13 =	vadd.f32 v15, v13  }
0x221: {  	v14 =	vadd.f32 v18, v14;
	v18 =	vperm.xlane v16, v54;
	v15 =	vperm.xlane v8, v54  }
0x222: {  	v17 =	vadd.f32 v17, v20;
	v2 =	vadd.f32 v2, v19;
	v19 =	vperm.xlane v13, v54  }
0x223: {  	v16 =	vadd.f32 v16, v18;
	v18 =	vperm.xlane v14, v54  }
0x224: {  	v8 =	vadd.f32 v15, v8;
	v13 =	vadd.f32 v19, v13;
	v19 =	vperm.xlane v17, v50  }
0x225: {  	[tilespmem:$0x1FCE0] =	vst v0;
	v0 =	vld [tilespmem:$0x1FA30];
	v14 =	vadd.f32 v18, v14  }
0x226: {  	v18 =	vperm.xlane v2, v50;
	v17 =	vadd.f32 v17, v19;
	v19 =	vperm.xlane v8, v50;
	_ =	sdelay $0x1  }
0x227: {  	v2 =	vadd.f32 v2, v18;
	v8 =	vadd.f32 v19, v8;
	v19 =	vmul.f32 v37, v36;
	_ =	sdelay $0x1  }
0x228: {  	v24 =	vmul.f32 $7.812500000e-03, v2;
	v31 =	vmul.f32 v19, v0;
	v0 =	vld [tilespmem:$0x1FA40];
	_ =	sdelay $0x1  }
0x229: {  	v2 =	vsub.f32 v30, v24  }
0x22a: {  	[tilespmem:$0x1FE00] =	vst v3;
	v21 =	vperm.xlane v13, v50  }
0x22b: {  	v3 =	vld [tilespmem:$0x1FEF0];
	v20 =	vperm.xlane v16, v50;
	[tilespmem:$0x1FAC0] =	vst v2;
	v2 =	vsub.f32 v29, v24  }
0x22c: {  	v13 =	vadd.f32 v21, v13;
	v17 =	vmul.f32 $7.812500000e-03, v17;
	v21 =	vsub.f32 v0, v42;
	v0 =	vld [tilespmem:$0x1FA50]  }
0x22d: {  	v12 =	vadd.f32 $9.999999960e-13, v12;
	[tilespmem:$0x1FAD0] =	vst v2;
	v2 =	vld [tilespmem:$0x1FAE0]  }
0x22e: {  	v16 =	vadd.f32 v16, v20;
	v13 =	vmul.f32 $7.812500000e-03, v13;
	v35 =	vmul.f32 v17, v17  }
0x22f: {  	v20 =	vperm.xlane v14, v50;
	v18 =	vmul.f32 $5.000000000e-01, v12;
	v12 =	vshra.s32 v12, $0x1  }
0x230: {  	v12 =	vsub.s32 $0x5F3759DF, v12;
	v13 =	vsub.f32 v13, v35;
	v35 =	vld [tilespmem:$0x1FE80]  }
0x231: {  	v14 =	vadd.f32 v20, v14;
	v20 =	vmul.f32 v12, v18;
	v22 =	vsub.f32 v0, v42;
	v0 =	vld [tilespmem:$0x1FA60]  }
0x232: {  	v55 =	vsub.f32 v9, v24;
	v9 =	vadd.f32 v2, v3;
	v2 =	vld [tilespmem:$0x1FAF0]  }
0x233: {  	v20 =	vmul.f32 v12, v20;
	_ =	sdelay $0x1  }
0x234: {  	v11 =	vld [tilespmem:$0x1FE90];
	v20 =	vsub.f32 $1.500000000e+00, v20  }
0x235: {  	v23 =	vsub.f32 v0, v42;
	v0 =	vld [tilespmem:$0x1FA70]  }
0x236: {  	v54 =	vsub.f32 v1, v24;
	v1 =	vmul.f32 v12, v20;
	v12 =	vadd.f32 v2, v35;
	v2 =	vld [tilespmem:$0x1FB00];
	_ =	sdelay $0x3  }
0x237: {  	v25 =	vsub.f32 v0, v42;
	v0 =	vld [tilespmem:$0x1FA80]  }
0x238: {  	v20 =	vadd.f32 v2, v11;
	v2 =	vld [tilespmem:$0x1FB10];
	_ =	sdelay $0x2  }
0x239: {  	v15 =	vmul.f32 v37, v61;
	v57 =	vsub.f32 v47, v24;
	v43 =	vsub.f32 v48, v24  }
0x23a: {  	v37 =	vmul.f32 $7.812500000e-03, v16;
	v56 =	vsub.f32 v28, v24;
	v16 =	vsub.f32 v0, v42;
	v0 =	vld [tilespmem:$0x1FA90]  }
0x23b: {  	v38 =	vmovc v61;
	v61 =	vmul.f32 v24, v24;
	v53 =	vsub.f32 v10, v24;
	v24 =	vadd.f32 v2, v35;
	v2 =	vld [tilespmem:$0x1FB20]  }
0x23c: {  	v26 =	vmul.f32 v51, v33;
	_ =	sdelay $0x1  }
0x23d: {  	v7 =	vld [tilespmem:$0x1FEA0];
	v21 =	vmul.f32 v26, v21;
	v26 =	vmul.f32 v51, v63  }
0x23e: {  	v5 =	vsub.f32 v0, v42;
	v0 =	vld [tilespmem:$0x1FAA0]  }
0x23f: {  	v23 =	vmul.f32 v26, v23;
	v26 =	vadd.f32 v2, v11;
	v2 =	vld [tilespmem:$0x1FB30]  }
0x240: {  	v8 =	vmul.f32 $7.812500000e-03, v8;
	_ =	sdelay $0x1  }
0x241: {  	v46 =	vsub.f32 v8, v61;
	v61 =	vld [tilespmem:$0x1FEB0]  }
0x242: {  	v27 =	vsub.f32 v0, v42;
	v0 =	vld [tilespmem:$0x1FAB0]  }
0x243: {  	v29 =	vmul.f32 v51, v62;
	v30 =	vadd.f32 v2, v7;
	v2 =	vld [tilespmem:$0x1FB40];
	_ =	sdelay $0x1  }
0x244: {  	v19 =	vmul.f32 v29, v25;
	v29 =	vmul.f32 v51, v36  }
0x245: {  	v8 =	vld [tilespmem:$0x1FEC0];
	v25 =	vmul.f32 v51, v52  }
0x246: {  	v0 =	vsub.f32 v0, v42;
	v42 =	vmul.f32 v29, v27;
	v29 =	vld [tilespmem:$0x1FBD0]  }
0x247: {  	v16 =	vmul.f32 v25, v16;
	v25 =	vadd.f32 v2, v61;
	v2 =	vld [tilespmem:$0x1FB50];
	_ =	sdelay $0x1  }
0x248: {  	[tilespmem:$0x1FE10] =	vst v4;
	v4 =	vld [tilespmem:$0x1FF20];
	v60 =	vmov v33;
	v14 =	vmul.f32 $7.812500000e-03, v14;
	v33 =	vmul.f32 v37, v37  }
0x249: {  	v10 =	vld [tilespmem:$0x1FEE0]  }
0x24a: {  	v39 =	vmovc v36;
	v14 =	vsub.f32 v14, v33;
	v36 =	vld [tilespmem:$0x1FBE0];
	v33 =	vadd.f32 v29, v8;
	v29 =	vmul.f32 v51, v41  }
0x24b: {  	v47 =	vadd.f32 v2, v8;
	v2 =	vld [tilespmem:$0x1FED0]  }
0x24c: {  	v29 =	vmul.f32 v29, v0;
	v0 =	vld [tilespmem:$0x1FC20]  }
0x24d: {  	v32 =	vmul.f32 v15, v49;
	v49 =	vmov v41;
	v18 =	vmul.f32 v1, v18;
	v41 =	vld [tilespmem:$0x1FBF0]  }
0x24e: {  	v50 =	vld [tilespmem:$0x1FC00]  }
0x24f: {  	v28 =	vmul.f32 v51, v38;
	v18 =	vmul.f32 v18, v1  }
0x250: {  	v34 =	vmul.f32 v51, v4;
	v51 =	vld [tilespmem:$0x1FC10]  }
0x251: {  	v18 =	vsub.f32 $1.500000000e+00, v18;
	v28 =	vmul.f32 v28, v5;
	v5 =	vld [tilespmem:$0x1FB90];
	v0 =	vadd.f32 v0, v7  }
0x252: {  	v22 =	vmul.f32 v34, v22;
	v34 =	vadd.f32 v36, v2;
	v36 =	vadd.f32 v41, v10  }
0x253: {  	v1 =	vmul.f32 v18, v1;
	v41 =	vadd.f32 v50, v3;
	[tilespmem:$0x1FD30] =	vst v0;
	v0 =	vadd.f32 $9.999999960e-13, v46;
	v46 =	vld [tilespmem:$0x1FC30];
	_ =	sdelay $0x1  }
0x254: {  	v6 =	vld [tilespmem:$0x1FB60];
	v50 =	vsub.f32 v51, v58;
	[tilespmem:$0x1FD00] =	vst v41;
	v41 =	vmul.f32 v1, v49  }
0x255: {  	v40 =	vadd.f32 v5, v35;
	v5 =	vld [tilespmem:$0x1FBA0];
	v32 =	vadd.f32 v32, v2  }
0x256: {  	v51 =	vmul.f32 v41, v50;
	v50 =	vadd.f32 v44, v8  }
0x257: {  	v15 =	vld [tilespmem:$0x1FB80];
	[tilespmem:$0x1FD90] =	vst v32;
	v41 =	vadd.f32 v46, v61  }
0x258: {  	v18 =	vld [tilespmem:$0x1FBC0];
	[tilespmem:$0x1FD70] =	vst v50  }
0x259: {  	v48 =	vadd.f32 v6, v2;
	v6 =	vld [tilespmem:$0x1FB70];
	[tilespmem:$0x1FD50] =	vst v41  }
0x25a: {  	v27 =	vadd.f32 v5, v11;
	v5 =	vld [tilespmem:$0x1FBB0];
	[tilespmem:s30+$0x70] =	vst v9  }
0x25b: {  	[tilespmem:s30+$0x0] =	vst v12  }
0x25c: {  	[tilespmem:s30+$0x10] =	vst v20  }
0x25d: {  	v14 =	vadd.f32 $9.999999960e-13, v14;
	v41 =	vshra.s32 v0, $0x1;
	[tilespmem:s30+$0xFFFFFF00] =	vst v24  }
0x25e: {  	v6 =	vadd.f32 v6, v10;
	v32 =	vsub.s32 $0x5F3759DF, v41;
	v41 =	vadd.f32 v31, v10;
	v10 =	vld [tilespmem:$0x1FC40]  }
0x25f: {  	v0 =	vmul.f32 $5.000000000e-01, v0  }
0x260: {  	v50 =	vshra.s32 v14, $0x1  }
0x261: {  	v44 =	vsub.s32 $0x5F3759DF, v50;
	v50 =	vmul.f32 v32, v0;
	_ =	sdelay $0x1  }
0x262: {  	v20 =	vmul.f32 v32, v50;
	v50 =	vmul.f32 v1, v60;
	v24 =	vsub.f32 v10, v58;
	_ =	sdelay $0x1  }
0x263: {  	[tilespmem:s30+$0xFFFFFF10] =	vst v26;
	v10 =	vmul.f32 v50, v24  }
0x264: {  	[tilespmem:s30+$0xFFFFFF20] =	vst v30  }
0x265: {  	[tilespmem:$0x1FE30] =	vst v10;
	v10 =	vadd.f32 v19, v61  }
0x266: {  	[tilespmem:s30+$0xFFFFFF30] =	vst v25  }
0x267: {  	v2 =	vadd.f32 v28, v2;
	[tilespmem:$0x1FDF0] =	vst v10  }
0x268: {  	[tilespmem:s30+$0xFFFFFF40] =	vst v47  }
0x269: {  	[tilespmem:$0x1FE20] =	vst v2  }
0x26a: {  	[tilespmem:s30+$0xFFFFFF50] =	vst v48  }
0x26b: {  	v2 =	vld [tilespmem:$0x1FC50];
	_ =	sdelay $0x3  }
0x26c: {  	v10 =	vadd.f32 v16, v8  }
0x26d: {  	v16 =	vsub.f32 v2, v58;
	v2 =	vadd.f32 v51, v3;
	_ =	sdelay $0x1  }
0x26e: {  	[tilespmem:$0x1FE40] =	vst v2  }
0x26f: {  	[tilespmem:s30+$0xFFFFFF60] =	vst v6  }
0x270: {  	v2 =	vld [tilespmem:$0x1FC60];
	_ =	sdelay $0x1  }
0x271: {  	v15 =	vadd.f32 v15, v3;
	_ =	sdelay $0x1  }
0x272: {  	[tilespmem:s30+$0xFFFFFF70] =	vst v15  }
0x273: {  	v18 =	vadd.f32 v18, v61;
	v61 =	vsub.f32 v2, v37;
	v2 =	vld [tilespmem:$0x1FC70];
	_ =	sdelay $0x4  }
0x274: {  	v47 =	vsub.f32 v2, v37;
	v2 =	vmul.f32 v1, v63;
	_ =	sdelay $0x1  }
0x275: {  	[tilespmem:$0x1FC80] =	vst v2  }
0x276: {  	[tilespmem:s30+$0xFFFFFF80] =	vst v40  }
0x277: {  	v2 =	vld [tilespmem:$0x1FC90];
	_ =	sdelay $0x4  }
0x278: {  	v15 =	vmov v63;
	v63 =	vsub.f32 v2, v37;
	v2 =	vmul.f32 v1, v62;
	_ =	sdelay $0x1  }
0x279: {  	[tilespmem:$0x1FCA0] =	vst v2;
	v2 =	vmul.f32 v1, v52  }
0x27a: {  	v5 =	vadd.f32 v5, v7;
	[tilespmem:s30+$0xFFFFFF90] =	vst v27  }
0x27b: {  	[tilespmem:$0x1FCB0] =	vst v2  }
0x27c: {  	[tilespmem:s30+$0xFFFFFFA0] =	vst v5  }
0x27d: {  	v14 =	vmul.f32 $5.000000000e-01, v14;
	v2 =	vld [tilespmem:$0x1FCC0];
	_ =	sdelay $0x1  }
0x27e: {  	v31 =	vmul.f32 v44, v14;
	_ =	sdelay $0x1  }
0x27f: {  	v31 =	vmul.f32 v44, v31;
	[tilespmem:s30+$0xFFFFFFB0] =	vst v18  }
0x280: {  	v48 =	vsub.f32 v2, v37;
	v2 =	vld [tilespmem:$0x1FCD0]  }
0x281: {  	v12 =	vadd.f32 v22, v11;
	v22 =	vsub.f32 $1.500000000e+00, v31;
	_ =	sdelay $0x1  }
0x282: {  	v22 =	vmul.f32 v44, v22;
	[tilespmem:s30+$0xFFFFFFC0] =	vst v33  }
0x283: {  	v20 =	vsub.f32 $1.500000000e+00, v20;
	[tilespmem:s30+$0xFFFFFFD0] =	vst v34  }
0x284: {  	v3 =	vmul.f32 v22, v14;
	v14 =	vmovc v38;
	v51 =	vmul.f32 v1, v38;
	v38 =	vsub.f32 v2, v37;
	v2 =	vld [tilespmem:$0x1FCE0];
	_ =	sdelay $0x1  }
0x285: {  	v13 =	vadd.f32 $9.999999960e-13, v13;
	v20 =	vmul.f32 v32, v20;
	_ =	sdelay $0x1  }
0x286: {  	v9 =	vshra.s32 v13, $0x1;
	v0 =	vmul.f32 v20, v0;
	[tilespmem:s30+$0xFFFFFFE0] =	vst v36  }
0x287: {  	v28 =	vmovc v52;
	v13 =	vmul.f32 $5.000000000e-01, v13;
	v44 =	vmovc v39;
	v52 =	vmul.f32 v1, v39;
	v39 =	vsub.f32 v2, v37;
	v2 =	vld [tilespmem:$0x1FD00]  }
0x288: {  	v9 =	vsub.s32 $0x5F3759DF, v9;
	v0 =	vmul.f32 v0, v20  }
0x289: {  	v46 =	vadd.f32 v21, v35;
	v21 =	vmul.f32 v9, v13  }
0x28a: {  	v0 =	vsub.f32 $1.500000000e+00, v0  }
0x28b: {  	v21 =	vmul.f32 v9, v21  }
0x28c: {  	v6 =	vmul.f32 v0, v20;
	v0 =	vld [tilespmem:$0x1FCF0];
	[tilespmem:s30+$0xFFFFFFF0] =	vst v2  }
0x28d: {  	v21 =	vsub.f32 $1.500000000e+00, v21;
	v2 =	vld [tilespmem:$0x1FD10];
	_ =	sdelay $0x1  }
0x28e: {  	v9 =	vmul.f32 v9, v21;
	_ =	sdelay $0x1  }
0x28f: {  	v21 =	vmov v4;
	v13 =	vmul.f32 v9, v13;
	v8 =	vmul.f32 v1, v4;
	v4 =	vld [tilespmem:$0x1FD30]  }
0x290: {  	v31 =	vsub.f32 v2, v58;
	v2 =	vld [tilespmem:$0x1FD20]  }
0x291: {  	v5 =	vmul.f32 v13, v9;
	_ =	sdelay $0x1  }
0x292: {  	v5 =	vsub.f32 $1.500000000e+00, v5  }
0x293: {  	[tilespmem:s30+$0x20] =	vst v4  }
0x294: {  	v30 =	vsub.f32 v2, v58;
	v2 =	vmul.f32 v5, v9;
	v5 =	vld [tilespmem:$0x1FD40];
	_ =	sdelay $0x4  }
0x295: {  	v32 =	vsub.f32 v5, v58;
	v5 =	vld [tilespmem:$0x1FD50];
	_ =	sdelay $0x4  }
0x296: {  	[tilespmem:s30+$0x30] =	vst v5  }
0x297: {  	v13 =	vld [tilespmem:$0x1FD60];
	_ =	sdelay $0x4  }
0x298: {  	v33 =	vsub.f32 v13, v58;
	v13 =	vld [tilespmem:$0x1FD70];
	_ =	sdelay $0x4  }
0x299: {  	[tilespmem:s30+$0x40] =	vst v13  }
0x29a: {  	v13 =	vld [tilespmem:$0x1FD80];
	_ =	sdelay $0x4  }
0x29b: {  	v40 =	vsub.f32 v13, v17;
	v13 =	vld [tilespmem:$0x1FD90]  }
0x29c: {  	v3 =	vmul.f32 v3, v22  }
0x29d: {  	v26 =	vmul.f32 v6, v15;
	v25 =	vmul.f32 v6, v62  }
0x29e: {  	v7 =	vadd.f32 v23, v7;
	v24 =	vmul.f32 v6, v28;
	v23 =	vmul.f32 v6, v44  }
0x29f: {  	v20 =	vmul.f32 v6, v49;
	v1 =	vsub.f32 $1.500000000e+00, v3;
	v3 =	vmul.f32 v8, v16  }
0x2a0: {  	v8 =	vmul.f32 v6, v60;
	v27 =	vmul.f32 v6, v21;
	[tilespmem:s30+$0x50] =	vst v13  }
0x2a1: {  	v1 =	vmul.f32 v1, v22;
	v22 =	vmul.f32 v6, v14;
	v6 =	vld [tilespmem:$0x1FDA0];
	_ =	sdelay $0x3  }
0x2a2: {  	v9 =	vmov v21;
	[tilespmem:s30+$0x60] =	vst v41  }
0x2a3: {  	v19 =	vmul.f32 v1, v9;
	v36 =	vsub.f32 v6, v17;
	v6 =	vmov v9;
	v9 =	vld [tilespmem:$0x1FDB0];
	_ =	sdelay $0x3  }
0x2a4: {  	v45 =	vsub.f32 v45, v37;
	[tilespmem:s30+$0x80] =	vst v46  }
0x2a5: {  	v59 =	vsub.f32 v59, v37;
	v37 =	vsub.f32 v9, v17;
	v9 =	vld [tilespmem:$0x1FDC0];
	_ =	sdelay $0x2  }
0x2a6: {  	v18 =	vmul.f32 v1, v15;
	v16 =	vmul.f32 v1, v62  }
0x2a7: {  	v50 =	vmov v14;
	v14 =	vmul.f32 v1, v14;
	v21 =	vmul.f32 v1, v60;
	[tilespmem:s30+$0x90] =	vst v12  }
0x2a8: {  	v5 =	vmov v15;
	v15 =	vmul.f32 v1, v28;
	v41 =	vsub.f32 v9, v17;
	v9 =	vld [tilespmem:$0x1FDD0];
	[tilespmem:s30+$0xA0] =	vst v7  }
0x2a9: {  	v13 =	vmul.f32 v1, v44;
	v12 =	vmul.f32 v1, v49;
	v1 =	vld [tilespmem:$0x1FDE0];
	_ =	sdelay $0x4  }
0x2aa: {  	v46 =	vsub.f32 v1, v17;
	v1 =	vld [tilespmem:$0x1FDF0];
	_ =	sdelay $0x4  }
0x2ab: {  	[tilespmem:s30+$0xB0] =	vst v1  }
0x2ac: {  	v1 =	vld [tilespmem:$0x1FE00];
	[tilespmem:s30+$0xC0] =	vst v10  }
0x2ad: {  	v4 =	vmul.f32 v2, v6;
	v6 =	vmul.f32 v2, v5;
	v5 =	vld [tilespmem:$0x1FE20];
	_ =	sdelay $0x4  }
0x2ae: {  	v0 =	vsub.f32 v0, v58;
	v58 =	vsub.f32 v1, v17;
	v1 =	vld [tilespmem:$0x1FE10];
	[tilespmem:s30+$0xD0] =	vst v5  }
0x2af: {  	v5 =	vld [tilespmem:$0x1FE30]  }
0x2b0: {  	v10 =	vld [tilespmem:$0x1FE40];
	_ =	sdelay $0x1  }
0x2b1: {  	v62 =	vmul.f32 v2, v62;
	v34 =	vsub.f32 v9, v17  }
0x2b2: {  	v7 =	vmul.f32 v2, v60;
	v1 =	vsub.f32 v1, v17;
	v17 =	vadd.f32 v3, v11  }
0x2b3: {  	v3 =	vmul.f32 v2, v44;
	v9 =	vadd.f32 v5, v35;
	v5 =	vmul.f32 v2, v28  }
0x2b4: {  	s6 =	sadd.s32 s9, s6;
	s5 =	simm.s32 $0x4;
	v35 =	vmul.f32 v2, v50;
	[tilespmem:s31+$0x70] =	vst v10;
	v2 =	vmul.f32 v2, v49  }
.LBB2_5:
0x2b5: {  	v10 =	vld [tilespmem:$0x1FAC0];
	_ =	sdelay $0x4  }
0x2b6: {  	v8 =	vmul.f32 v8, v10;
	v10 =	vld [tilespmem:$0x1FAD0];
	_ =	sdelay $0x3  }
0x2b7: {  	v11 =	vld [tilespmem:$0x1FEF0]  }
0x2b8: {  	v27 =	vmul.f32 v27, v10;
	v10 =	vld [tilespmem:$0x1FEE0];
	_ =	sdelay $0x1  }
0x2b9: {  	v18 =	vmul.f32 v18, v63;
	v63 =	vld [tilespmem:$0x1FED0]  }
0x2ba: {  	s3 =	sadd.s32 s5, s25  }
0x2bb: {  	[tilespmem:s31+$0x0] =	vst v9;
	v22 =	vmul.f32 v22, v53;
	v13 =	vmul.f32 v13, v59;
	s14 =	sadd.s32 $0x6, s3  }
0x2bc: {  	v44 =	vld [tilespmem:$0x1FE80];
	s4 =	sadd.s32 $0x4, s3;
	[tilespmem:s31+$0x10] =	vst v17;
	v17 =	vadd.f32 v29, v11;
	v29 =	vmov s14;
	v9 =	vadd.f32 v42, v10  }
0x2bd: {  	v49 =	vld [tilespmem:$0x1FE90];
	s18 =	sadd.s32 $0x5, s3;
	v59 =	vmul.f32 v12, v39;
	v28 =	vmov s4;
	v29 =	vand.u32 $0xFFFFFFFE, v29  }
0x2be: {  	v12 =	vadd.f32 v22, v63;
	v22 =	vld [tilespmem:$0x1FC80];
	[tilespmem:s30+$0xE0] =	vst v9;
	v9 =	vand.u32 $0xFFFFFFFC, v28;
	v28 =	vmov s18  }
0x2bf: {  	v60 =	vld [tilespmem:$0x1FEA0];
	[tilespmem:s30+$0xF0] =	vst v17;
	v17 =	vand.u32 $0xFFFFFFFD, v28;
	v28 =	vbroadcast v29, $0x0  }
0x2c0: {  	v21 =	vmul.f32 v21, v61;
	v61 =	vld [tilespmem:$0x1FEB0];
	v9 =	vbroadcast v9, $0x0  }
0x2c1: {  	v1 =	vmul.f32 v2, v1  }
0x2c2: {  	v26 =	vmul.f32 v26, v57;
	v8 =	vadd.f32 v8, v44;
	v17 =	vbroadcast v17, $0x0  }
0x2c3: {  	v25 =	vmul.f32 v25, v43;
	[tilespmem:$0x1F9C0] =	vst v1;
	v53 =	vmul.f32 v22, v0;
	v0 =	vld [tilespmem:$0x1FCA0];
	v27 =	vadd.f32 v27, v49  }
0x2c4: {  	v24 =	vmul.f32 v24, v56;
	v23 =	vmul.f32 v23, v54;
	s3 =	sadd.s32 $0x7, s3;
	[tilespmem:s31+$0xFFFFFF00] =	vst v8;
	v8 =	vadd.f32 v26, v60;
	v22 =	vld [tilespmem:$0x1FCB0]  }
0x2c5: {  	v20 =	vmul.f32 v20, v55;
	v25 =	vadd.f32 v25, v61;
	[tilespmem:s31+$0xFFFFFF10] =	vst v27;
	v29 =	vmov s3;
	v26 =	vld.idx.msk [tilespmem:v28+s16+$0x0], $0xffff  }
0x2c6: {  	v15 =	vmul.f32 v15, v48;
	v19 =	vmul.f32 v19, v47;
	v9 =	vld.idx.msk [tilespmem:v9+s16+$0x0], $0xffff;
	[tilespmem:s31+$0xFFFFFF20] =	vst v8  }
0x2c7: {  	v16 =	vmul.f32 v16, v45;
	v39 =	vmul.f32 v7, v40;
	v20 =	vadd.f32 v20, v11;
	v28 =	vld [tilespmem:$0x1FEC0];
	[tilespmem:s31+$0xFFFFFF30] =	vst v25  }
0x2c8: {  	v7 =	vadd.f32 v21, v44;
	v48 =	vmul.f32 v0, v31;
	[tilespmem:s31+$0xFFFFFF50] =	vst v12;
	v0 =	vld.idx.msk [tilespmem:v17+s16+$0x0], $0xffff  }
0x2c9: {  	v43 =	vmul.f32 v51, v32;
	v51 =	vld [tilespmem:$0x1FF60];
	v42 =	vmul.f32 v4, v36;
	v4 =	vadd.f32 v19, v49;
	[tilespmem:s31+$0xFFFFFF70] =	vst v20  }
0x2ca: {  	s2 =	smov.u32 s5;
	v2 =	vadd.f32 v16, v61;
	v47 =	vmul.f32 v22, v30;
	v22 =	vld.idx.msk [tilespmem:v29+s16+$0x0], $0xffff;
	[tilespmem:s31+$0xFFFFFF80] =	vst v7  }
0x2cb: {  	v14 =	vmul.f32 v14, v38;
	s2 =	sadd.s32 s2, s29;
	s30 =	smov.u32 s31;
	v17 =	vadd.f32 v23, v10;
	[tilespmem:s31+$0xFFFFFF90] =	vst v4;
	v7 =	vld [tilespmem:$0x1FFC0]  }
0x2cc: {  	v38 =	vmul.f32 v5, v34;
	s4 =	sadd.s32 $0x6, s2;
	s14 =	sadd.s32 $0xFFFFFF3E, s2;
	v29 =	vmovc v44;
	v44 =	vld [tilespmem:$0x1FF50];
	[tilespmem:s30+$0xFFFFFFB0] =	vst v2;
	v24 =	vadd.f32 v24, v28;
	v5 =	vmul.u32 $0xC8, v26  }
0x2cd: {  	v45 =	vmul.f32 v52, v33;
	s4 =	smin.u32 s4, s14;
	s14 =	sadd.s32 $0xFFFFFF3D, s2;
	s18 =	sadd.s32 $0x5, s2;
	v2 =	vld [tilespmem:$0x1FFE0];
	[tilespmem:s31+$0xFFFFFF60] =	vst v17;
	v0 =	vmul.u32 $0xC8, v0  }
0x2ce: {  	v35 =	vmul.f32 v35, v46;
	v3 =	vmul.f32 v3, v58;
	s14 =	smin.u32 s18, s14;
	v26 =	vld [tilespmem:$0x1FFF0];
	[tilespmem:s31+$0xFFFFFF40] =	vst v24;
	v1 =	vadd.s32 s4, v5;
	s31 =	sadd.s32 $0x200, s31  }
0x2cf: {  	v14 =	vadd.f32 v14, v63;
	v8 =	vshll.u32 v1, $0x7;
	v0 =	vadd.s32 s14, v0;
	v21 =	vld [tilespmem:s31+$0x0]  }
0x2d0: {  	s17 =	sadd.s32 $0xFFFFFF3C, s2;
	v36 =	vmul.f32 v6, v37;
	v23 =	vld [tilespmem:s31+$0x10];
	v16 =	vshll.u32 v0, $0x7;
	v0 =	vor.u32 v7, v8  }
0x2d1: {  	[tilespmem:$0x1F9D0] =	vst v3;
	s3 =	sadd.s32 $0x4, s2;
	v12 =	vlaneseq.u32;
	v3 =	vmul.u32 $0xC8, v9;
	s4 =	sadd.s32 $0x7, s2;
	s2 =	sadd.s32 $0xFFFFFF3F, s2;
	v1 =	vmul.u32 $0xC8, v22;
	v32 =	vld [tilespmem:s31+$0x20]  }
0x2d2: {  	v37 =	vmul.f32 v62, v41;
	v13 =	vadd.f32 v13, v10;
	s3 =	smin.u32 s3, s17;
	s2 =	smin.u32 s4, s2;
	v34 =	vld [tilespmem:s31+$0x30];
	v9 =	vor.u32 v12, v8  }
0x2d3: {  	[tilespmem:s30+$0xFFFFFFD0] =	vst v14;
	v5 =	vadd.f32 v15, v28;
	v3 =	vadd.s32 s3, v3;
	v14 =	vld [tilespmem:s31+$0x60];
	v1 =	vadd.s32 s2, v1  }
0x2d4: {  	v15 =	vshll.u32 v3, $0x7;
	v3 =	vor.u32 v26, v8;
	v17 =	vshll.u32 v1, $0x7;
	v1 =	vld [tilespmem:$0x1FFB0]  }
0x2d5: {  	v6 =	vadd.f32 v18, v60;
	v18 =	vor.u32 v12, v15;
	v30 =	vor.u32 v2, v8;
	v31 =	vld.idx.msk [tilespmem:v0+s8+$0x0], $0xffff  }
0x2d6: {  	[tilespmem:s30+$0xFFFFFFE0] =	vst v13;
	v40 =	vor.u32 v2, v15;
	v56 =	vor.u32 v44, v15;
	v52 =	vor.u32 v44, v8;
	v0 =	vld [tilespmem:$0x1FFD0]  }
0x2d7: {  	v50 =	vor.u32 v51, v15;
	v19 =	vor.u32 v26, v15;
	v20 =	vor.u32 v12, v16;
	v9 =	vld.idx.msk [tilespmem:v9+s8+$0x0], $0xffff  }
0x2d8: {  	[tilespmem:s30+$0xFFFFFFA0] =	vst v6;
	v13 =	vld [tilespmem:s31+$0x70];
	v22 =	vor.u32 v26, v16;
	v25 =	vor.u32 v12, v17;
	v12 =	vor.u32 v7, v15  }
0x2d9: {  	v6 =	vor.u32 v7, v16;
	v41 =	vor.u32 v2, v16;
	v27 =	vld.idx.msk [tilespmem:v3+s8+$0x0], $0xffff;
	v24 =	vor.u32 v1, v8  }
0x2da: {  	v54 =	vor.u32 v44, v16;
	v62 =	vor.u32 v51, v16;
	v26 =	vor.u32 v26, v17;
	v18 =	vld.idx.msk [tilespmem:v18+s8+$0x0], $0xffff  }
0x2db: {  	v7 =	vor.u32 v7, v17;
	v4 =	vor.u32 v1, v15;
	v46 =	vor.u32 v0, v15;
	v15 =	vld.idx.msk [tilespmem:v30+s8+$0x0], $0xffff  }
0x2dc: {  	[tilespmem:s30+$0xFFFFFFC0] =	vst v5;
	v2 =	vor.u32 v2, v17;
	v33 =	vor.u32 v0, v8;
	v57 =	vadd.f32 v21, v9;
	v9 =	vld [tilespmem:s31+$0x40]  }
0x2dd: {  	v55 =	vor.u32 v44, v17;
	v5 =	vor.u32 v1, v16;
	v12 =	vld.idx.msk [tilespmem:v12+s8+$0x0], $0xffff;
	v8 =	vor.u32 v51, v8  }
0x2de: {  	v3 =	vor.u32 v1, v17;
	v1 =	vor.u32 v0, v16;
	v44 =	vadd.f32 v23, v27;
	v24 =	vld.idx.msk [tilespmem:v24+s8+$0x0], $0xffff  }
0x2df: {  	v0 =	vor.u32 v0, v17;
	v30 =	vadd.f32 v32, v31;
	v51 =	vor.u32 v51, v17;
	v17 =	vld [tilespmem:s31+$0x50]  }
0x2e0: {  	v23 =	vmul.f32 v57, v57;
	v4 =	vld.idx.msk [tilespmem:v4+s8+$0x0], $0xffff;
	v21 =	vadd.f32 v44, v57;
	v27 =	vmul.f32 v44, v44  }
0x2e1: {  	v16 =	vld.idx.msk [tilespmem:v33+s8+$0x0], $0xffff;
	v32 =	vadd.f32 v9, v15;
	v9 =	vadd.f32 v59, v11  }
0x2e2: {  	v21 =	vadd.f32 v30, v21;
	v23 =	vadd.f32 v27, v23;
	v8 =	vld.idx.msk [tilespmem:v8+s8+$0x0], $0xffff  }
0x2e3: {  	v27 =	vmul.f32 v30, v30;
	v31 =	vadd.f32 v34, v24;
	v24 =	vld.idx.msk [tilespmem:v52+s8+$0x0], $0xffff;
	[tilespmem:s30+$0xFFFFFFF0] =	vst v9  }
0x2e4: {  	v9 =	vadd.f32 v53, v60;
	v20 =	vld.idx.msk [tilespmem:v20+s8+$0x0], $0xffff  }
0x2e5: {  	v15 =	vadd.f32 v31, v21;
	v21 =	vadd.f32 v27, v23;
	v27 =	vld [tilespmem:s31+$0x80]  }
0x2e6: {  	v23 =	vmul.f32 v31, v31;
	v33 =	vadd.f32 v17, v16;
	v16 =	vld.idx.msk [tilespmem:v19+s8+$0x0], $0xffff  }
0x2e7: {  	[tilespmem:s30+$0x20] =	vst v9;
	v9 =	vadd.f32 v48, v61;
	v53 =	vadd.f32 v13, v8;
	v8 =	vld.idx.msk [tilespmem:v25+s8+$0x0], $0xffff  }
0x2e8: {  	v19 =	vmul.f32 v32, v32;
	v15 =	vadd.f32 v32, v15;
	v17 =	vadd.f32 v23, v21;
	v21 =	vld [tilespmem:s31+$0xFFFFFF00]  }
0x2e9: {  	[tilespmem:s30+$0x30] =	vst v9;
	v9 =	vadd.f32 v47, v28;
	v23 =	vld [tilespmem:s31+$0xFFFFFF10];
	v34 =	vadd.f32 v14, v24  }
0x2ea: {  	v14 =	vld.idx.msk [tilespmem:v22+s8+$0x0], $0xffff;
	v15 =	vadd.f32 v33, v15;
	v17 =	vadd.f32 v19, v17;
	v19 =	vmul.f32 v33, v33  }
0x2eb: {  	v22 =	vadd.f32 v45, v10;
	v10 =	vld [tilespmem:$0x1FF70];
	[tilespmem:s30+$0x40] =	vst v9;
	v9 =	vadd.f32 v43, v63  }
0x2ec: {  	v24 =	vld [tilespmem:s31+$0xFFFFFF80];
	v13 =	vadd.f32 v34, v15;
	v15 =	vadd.f32 v19, v17;
	v17 =	vmul.f32 v34, v34  }
0x2ed: {  	v19 =	vld.idx.msk [tilespmem:v26+s8+$0x0], $0xffff;
	[tilespmem:s30+$0x50] =	vst v9;
	v9 =	vadd.f32 v39, v29  }
0x2ee: {  	v26 =	vld [tilespmem:s31+$0xFFFFFF90];
	v13 =	vadd.f32 v53, v13;
	v15 =	vadd.f32 v17, v15;
	v17 =	vmul.f32 v53, v53  }
0x2ef: {  	[tilespmem:s30+$0x80] =	vst v9;
	v9 =	vadd.f32 v37, v61;
	v61 =	vadd.f32 v38, v28;
	v28 =	vld [tilespmem:$0x1FF80]  }
0x2f0: {  	v6 =	vld.idx.msk [tilespmem:v6+s8+$0x0], $0xffff;
	v25 =	vadd.f32 v42, v49;
	v15 =	vadd.f32 v17, v15;
	v17 =	vperm.xlane v13, v10  }
0x2f1: {  	v5 =	vld.idx.msk [tilespmem:v5+s8+$0x0], $0xffff;
	[tilespmem:s30+$0x60] =	vst v22;
	v22 =	vadd.f32 v36, v60;
	v42 =	vadd.f32 v21, v18  }
0x2f2: {  	v43 =	vadd.f32 v23, v16;
	v18 =	vld [tilespmem:s31+$0x90];
	v13 =	vadd.f32 v13, v17;
	v17 =	vperm.xlane v15, v10  }
0x2f3: {  	v16 =	vadd.f32 v35, v63;
	[tilespmem:s30+$0x90] =	vst v25;
	v39 =	vadd.f32 v26, v14;
	v26 =	vld [tilespmem:$0x1FF90]  }
0x2f4: {  	v38 =	vadd.f32 v24, v20;
	[tilespmem:s30+$0xA0] =	vst v22;
	v14 =	vld [tilespmem:s31+$0xFFFFFF20];
	v20 =	vperm.xlane v13, v28;
	v15 =	vadd.f32 v17, v15  }
0x2f5: {  	v35 =	vadd.f32 v27, v8;
	v21 =	vmul.f32 v42, v42;
	v8 =	vmul.f32 v43, v43;
	v7 =	vld.idx.msk [tilespmem:v7+s8+$0x0], $0xffff  }
0x2f6: {  	[tilespmem:s30+$0xB0] =	vst v9;
	v9 =	vld [tilespmem:s31+$0xFFFFFFA0];
	v13 =	vadd.f32 v13, v20;
	v20 =	vperm.xlane v15, v28  }
0x2f7: {  	v27 =	vld [tilespmem:$0x1FFA0];
	v8 =	vadd.f32 v8, v21  }
0x2f8: {  	v1 =	vld.idx.msk [tilespmem:v1+s8+$0x0], $0xffff;
	v36 =	vadd.f32 v18, v19;
	v19 =	vperm.xlane v13, v26;
	v15 =	vadd.f32 v20, v15  }
0x2f9: {  	v24 =	vmul.f32 v35, v35;
	[tilespmem:s30+$0xC0] =	vst v61;
	v17 =	vadd.f32 v43, v42;
	v47 =	vadd.f32 v14, v12;
	v12 =	vld [tilespmem:s31+$0xFFFFFF30]  }
0x2fa: {  	v18 =	vmul.f32 v38, v38;
	v20 =	vld [tilespmem:s31+$0xA0];
	v13 =	vadd.f32 v13, v19;
	v19 =	vperm.xlane v15, v26  }
0x2fb: {  	v45 =	vadd.f32 v9, v6;
	[tilespmem:s30+$0xD0] =	vst v16;
	v16 =	vmul.f32 v39, v39;
	v14 =	vadd.f32 v47, v17;
	v17 =	vld [tilespmem:s31+$0xFFFFFFB0]  }
0x2fc: {  	v22 =	vadd.f32 v39, v38;
	v3 =	vld.idx.msk [tilespmem:v3+s8+$0x0], $0xffff;
	v6 =	vperm.xlane v13, v27;
	v9 =	vadd.f32 v19, v15  }
0x2fd: {  	v23 =	vadd.f32 v36, v35;
	v2 =	vld.idx.msk [tilespmem:v2+s8+$0x0], $0xffff;
	v16 =	vadd.f32 v16, v18;
	v18 =	vmul.f32 v45, v45  }
0x2fe: {  	v52 =	vadd.f32 v12, v4;
	v12 =	vld [tilespmem:s31+$0xFFFFFF40];
	v6 =	vadd.f32 v13, v6;
	v13 =	vperm.xlane v9, v27  }
0x2ff: {  	v15 =	vmul.f32 v47, v47;
	v19 =	vld [tilespmem:s31+$0xB0];
	v16 =	vadd.f32 v18, v16;
	v37 =	vadd.f32 v20, v7  }
0x300: {  	v7 =	vadd.f32 v45, v22;
	v20 =	vld.idx.msk [tilespmem:v40+s8+$0x0], $0xffff;
	v40 =	vmul.f32 $7.812500000e-03, v6;
	v6 =	vadd.f32 v13, v9  }
0x301: {  	v25 =	vmul.f32 v36, v36;
	v22 =	vld.idx.msk [tilespmem:v41+s8+$0x0], $0xffff;
	v48 =	vadd.f32 v17, v5;
	v4 =	vadd.f32 v15, v8  }
0x302: {  	v17 =	vld.idx.msk [tilespmem:v46+s8+$0x0], $0xffff;
	v21 =	vadd.f32 v37, v23;
	v5 =	vmul.f32 $7.812500000e-03, v6;
	v6 =	vmul.f32 v40, v40  }
0x303: {  	v15 =	vld [tilespmem:s31+$0xFFFFFFC0];
	v8 =	vmul.f32 v37, v37;
	v9 =	vadd.f32 v25, v24;
	v13 =	vadd.f32 v52, v14  }
0x304: {  	v41 =	vadd.f32 v19, v3;
	v5 =	vsub.f32 v5, v6;
	v6 =	vld [tilespmem:s31+$0xC0]  }
0x305: {  	v14 =	vmul.f32 v52, v52;
	v3 =	vadd.f32 v48, v7;
	v8 =	vadd.f32 v8, v9;
	v9 =	vld.idx.msk [tilespmem:v0+s8+$0x0], $0xffff  }
0x306: {  	v7 =	vmul.f32 v48, v48;
	v61 =	vadd.f32 v12, v20;
	v0 =	vld [tilespmem:s31+$0xFFFFFF50];
	v5 =	vadd.f32 $9.999999960e-13, v5  }
0x307: {  	v4 =	vadd.f32 v14, v4;
	v14 =	vld [tilespmem:s31+$0xFFFFFFD0];
	v18 =	vadd.f32 v41, v21;
	v19 =	vmul.f32 v41, v41  }
0x308: {  	v59 =	vadd.f32 v15, v22;
	v12 =	vshra.s32 v5, $0x1;
	v5 =	vmul.f32 $5.000000000e-01, v5  }
0x309: {  	v15 =	vld.idx.msk [tilespmem:v56+s8+$0x0], $0xffff;
	v13 =	vadd.f32 v61, v13;
	v12 =	vsub.s32 $0x5F3759DF, v12;
	v46 =	vadd.f32 v6, v2  }
0x30a: {  	v2 =	vadd.f32 v59, v3;
	v3 =	vadd.f32 v7, v16;
	v7 =	vld [tilespmem:s31+$0xD0];
	v6 =	vmul.f32 v12, v5  }
0x30b: {  	v8 =	vadd.f32 v19, v8;
	v19 =	vld.idx.msk [tilespmem:v54+s8+$0x0], $0xffff;
	v54 =	vadd.f32 v0, v17;
	v16 =	vmul.f32 v61, v61  }
0x30c: {  	v21 =	vld [tilespmem:s31+$0xFFFFFF60];
	v0 =	vadd.f32 v14, v1;
	v17 =	vmul.f32 v46, v46;
	v6 =	vmul.f32 v12, v6  }
0x30d: {  	v14 =	vld [tilespmem:s31+$0xFFFFFFE0];
	v18 =	vadd.f32 v46, v18;
	v4 =	vadd.f32 v16, v4  }
0x30e: {  	v20 =	vmul.f32 v59, v59;
	v8 =	vadd.f32 v17, v8;
	v1 =	vsub.f32 $1.500000000e+00, v6  }
0x30f: {  	v16 =	vld.idx.msk [tilespmem:v55+s8+$0x0], $0xffff;
	v6 =	vadd.f32 v54, v13;
	v13 =	vmul.f32 v54, v54;
	v58 =	vadd.f32 v7, v9  }
0x310: {  	v7 =	vadd.f32 v0, v2;
	v2 =	vadd.f32 v20, v3;
	v9 =	vld [tilespmem:s31+$0xE0];
	v20 =	vmul.f32 v0, v0  }
0x311: {  	v3 =	vadd.f32 v21, v15;
	v21 =	vld [tilespmem:s31+$0xFFFFFF70];
	v1 =	vmul.f32 v12, v1;
	v4 =	vadd.f32 v13, v4  }
0x312: {  	v12 =	vld.idx.msk [tilespmem:v50+s8+$0x0], $0xffff;
	v17 =	vmul.f32 v58, v58;
	v15 =	vadd.f32 v20, v2;
	v2 =	vadd.f32 v14, v19  }
0x313: {  	v13 =	vld.idx.msk [tilespmem:v62+s8+$0x0], $0xffff;
	v14 =	vadd.f32 v3, v6;
	v6 =	vmul.f32 v3, v3;
	v5 =	vmul.f32 v1, v5  }
0x314: {  	v18 =	vadd.f32 v58, v18;
	v20 =	vld.idx.msk [tilespmem:v51+s8+$0x0], $0xffff  }
0x315: {  	v8 =	vadd.f32 v17, v8;
	v17 =	vld [tilespmem:s31+$0xFFFFFFF0];
	v19 =	vadd.f32 v6, v4;
	v5 =	vmul.f32 v5, v1  }
0x316: {  	v6 =	vsub.f32 v44, v40;
	v44 =	vld [tilespmem:$0x1FF30];
	v62 =	vadd.f32 v9, v16  }
0x317: {  	v9 =	vadd.f32 v2, v7;
	v7 =	vmul.f32 v2, v2;
	v16 =	vld [tilespmem:s31+$0xF0];
	v5 =	vsub.f32 $1.500000000e+00, v5  }
0x318: {  	v18 =	vadd.f32 v62, v18;
	v4 =	vmul.f32 v62, v62  }
0x319: {  	v15 =	vadd.f32 v7, v15;
	v7 =	vmul.f32 v5, v1;
	v5 =	vadd.f32 v21, v12  }
0x31a: {  	v8 =	vadd.f32 v4, v8;
	v4 =	vadd.f32 v17, v13  }
0x31b: {  	v12 =	vsub.f32 v53, v40;
	v13 =	vmul.f32 v7, v44;
	v17 =	vmul.f32 v5, v5  }
0x31c: {  	v1 =	vadd.f32 v16, v20;
	v14 =	vadd.f32 v5, v14  }
0x31d: {  	v16 =	vmul.f32 v4, v4;
	v12 =	vmul.f32 v13, v12;
	v13 =	vadd.f32 v17, v19  }
0x31e: {  	v17 =	vadd.f32 v1, v18;
	v18 =	vmul.f32 v1, v1;
	v19 =	vperm.xlane v14, v10  }
0x31f: {  	v15 =	vadd.f32 v16, v15;
	v12 =	vadd.f32 v12, v11  }
0x320: {  	v8 =	vadd.f32 v18, v8;
	v18 =	vperm.xlane v17, v10;
	v14 =	vadd.f32 v14, v19  }
0x321: {  	v20 =	vperm.xlane v15, v10  }
0x322: {  	v19 =	vperm.xlane v13, v10;
	[tilespmem:s31+$0x70] =	vst v12;
	v12 =	vadd.f32 v17, v18;
	v17 =	vperm.xlane v14, v28  }
0x323: {  	v15 =	vadd.f32 v20, v15  }
0x324: {  	v13 =	vadd.f32 v19, v13;
	v19 =	vperm.xlane v12, v28;
	v14 =	vadd.f32 v14, v17  }
0x325: {  	v9 =	vadd.f32 v4, v9  }
0x326: {  	v17 =	vperm.xlane v15, v28;
	v12 =	vadd.f32 v12, v19;
	v19 =	vperm.xlane v14, v26  }
0x327: {  	v16 =	vperm.xlane v9, v10  }
0x328: {  	v15 =	vadd.f32 v17, v15;
	v17 =	vperm.xlane v12, v26;
	v14 =	vadd.f32 v14, v19;
	_ =	sdelay $0x1  }
0x329: {  	v9 =	vadd.f32 v9, v16;
	v12 =	vadd.f32 v12, v17;
	v17 =	vperm.xlane v14, v27  }
0x32a: {  	v16 =	vperm.xlane v8, v10  }
0x32b: {  	v18 =	vperm.xlane v9, v28;
	v14 =	vadd.f32 v14, v17  }
0x32c: {  	v8 =	vadd.f32 v16, v8;
	v16 =	vperm.xlane v13, v28  }
0x32d: {  	v9 =	vadd.f32 v9, v18;
	v14 =	vmul.f32 $7.812500000e-03, v14  }
0x32e: {  	v18 =	vperm.xlane v8, v28;
	v13 =	vadd.f32 v16, v13  }
0x32f: {  	v16 =	vperm.xlane v9, v26;
	v10 =	vsub.f32 v42, v14;
	v42 =	vld [tilespmem:$0x1FF10]  }
0x330: {  	v8 =	vadd.f32 v18, v8;
	v18 =	vperm.xlane v13, v26  }
0x331: {  	v49 =	vld [tilespmem:$0x1FF40];
	v19 =	vperm.xlane v15, v26;
	v9 =	vadd.f32 v9, v16  }
0x332: {  	v16 =	vperm.xlane v8, v26;
	v13 =	vadd.f32 v18, v13;
	[tilespmem:$0x1FAC0] =	vst v10;
	v10 =	vsub.f32 v43, v14  }
0x333: {  	v15 =	vadd.f32 v19, v15;
	v18 =	vperm.xlane v9, v27;
	v19 =	vperm.xlane v12, v27  }
0x334: {  	v8 =	vadd.f32 v16, v8;
	v16 =	vperm.xlane v13, v27;
	[tilespmem:$0x1FAD0] =	vst v10;
	v10 =	vmul.f32 v7, v42  }
0x335: {  	v17 =	vperm.xlane v15, v27;
	v9 =	vadd.f32 v9, v18;
	v12 =	vadd.f32 v12, v19  }
0x336: {  	v18 =	vperm.xlane v8, v27;
	v13 =	vadd.f32 v16, v13;
	[tilespmem:$0x1FC80] =	vst v10;
	v10 =	vmul.f32 v7, v49  }
0x337: {  	v15 =	vadd.f32 v17, v15;
	v17 =	vmul.f32 $7.812500000e-03, v12  }
0x338: {  	v8 =	vadd.f32 v18, v8;
	v12 =	vmul.f32 $7.812500000e-03, v13;
	v13 =	vmul.f32 v14, v14;
	[tilespmem:$0x1FCA0] =	vst v10;
	v10 =	vld [tilespmem:$0x1FE50]  }
0x339: {  	v50 =	vld [tilespmem:$0x1FE60]  }
0x33a: {  	v12 =	vsub.f32 v12, v13;
	v8 =	vmul.f32 $7.812500000e-03, v8;
	v13 =	vmul.f32 v17, v17  }
0x33b: {  	v60 =	vld [tilespmem:$0x1FF20]  }
0x33c: {  	v8 =	vsub.f32 v8, v13  }
0x33d: {  	v29 =	vld [tilespmem:$0x1FF00];
	v9 =	vmul.f32 $7.812500000e-03, v9;
	v10 =	vmul.f32 v7, v10  }
0x33e: {  	v51 =	vmul.f32 v7, v50;
	v8 =	vadd.f32 $9.999999960e-13, v8  }
0x33f: {  	v15 =	vmul.f32 $7.812500000e-03, v15;
	v16 =	vmul.f32 v9, v9;
	[tilespmem:$0x1FCB0] =	vst v10;
	v10 =	vld [tilespmem:$0x1FE70]  }
0x340: {  	v18 =	vmul.f32 v7, v60;
	v20 =	vshra.s32 v8, $0x1;
	v8 =	vmul.f32 $5.000000000e-01, v8  }
0x341: {  	v15 =	vsub.f32 v15, v16;
	v12 =	vadd.f32 $9.999999960e-13, v12;
	v20 =	vsub.s32 $0x5F3759DF, v20  }
0x342: {  	v16 =	vmul.f32 v7, v29;
	v43 =	vsub.f32 v52, v14;
	v23 =	vmul.f32 v20, v8  }
0x343: {  	v13 =	vadd.f32 $9.999999960e-13, v15;
	v15 =	vshra.s32 v12, $0x1;
	v12 =	vmul.f32 $5.000000000e-01, v12  }
0x344: {  	v15 =	vsub.s32 $0x5F3759DF, v15;
	v52 =	vmul.f32 v7, v10;
	v7 =	vmul.f32 v20, v23  }
0x345: {  	v21 =	vmul.f32 v15, v12  }
0x346: {  	v11 =	vmul.f32 v18, v6;
	v6 =	vsub.f32 $1.500000000e+00, v7  }
0x347: {  	v55 =	vsub.f32 v5, v14;
	v21 =	vmul.f32 v15, v21  }
0x348: {  	v19 =	vshra.s32 v13, $0x1;
	v13 =	vmul.f32 $5.000000000e-01, v13;
	v5 =	vmul.f32 v20, v6  }
0x349: {  	v63 =	vsub.f32 v57, v40;
	v19 =	vsub.s32 $0x5F3759DF, v19;
	v21 =	vsub.f32 $1.500000000e+00, v21  }
0x34a: {  	v57 =	vsub.f32 v47, v14;
	v22 =	vmul.f32 v19, v13;
	v8 =	vmul.f32 v5, v8  }
0x34b: {  	v56 =	vsub.f32 v61, v14;
	v61 =	vsub.f32 v38, v9;
	v7 =	vmul.f32 v15, v21  }
0x34c: {  	v38 =	vsub.f32 v0, v9;
	v22 =	vmul.f32 v19, v22;
	v0 =	vmul.f32 v8, v5  }
0x34d: {  	v47 =	vsub.f32 v39, v9;
	v39 =	vsub.f32 v4, v9;
	v6 =	vmul.f32 v7, v12  }
0x34e: {  	v22 =	vsub.f32 $1.500000000e+00, v22;
	v4 =	vsub.f32 $1.500000000e+00, v0  }
0x34f: {  	v10 =	vmul.f32 v16, v63;
	v63 =	vsub.f32 v45, v9;
	v6 =	vmul.f32 v6, v7  }
0x350: {  	v45 =	vsub.f32 v48, v9;
	v48 =	vsub.f32 v59, v9;
	v28 =	vmul.f32 v4, v5;
	v4 =	vld [tilespmem:$0x1FE50]  }
0x351: {  	v59 =	vsub.f32 v2, v9;
	v2 =	vsub.f32 $1.500000000e+00, v6  }
0x352: {  	v53 =	vsub.f32 v54, v14  }
0x353: {  	v54 =	vsub.f32 v3, v14;
	v3 =	vmul.f32 v19, v22;
	v2 =	vmul.f32 v2, v7;
	_ =	sdelay $0x1  }
0x354: {  	v12 =	vmul.f32 v3, v13;
	v24 =	vmul.f32 v2, v4;
	v4 =	vld [tilespmem:$0x1FE70];
	_ =	sdelay $0x1  }
0x355: {  	v12 =	vmul.f32 v12, v3;
	v8 =	vmul.f32 v2, v29  }
0x356: {  	v27 =	vmul.f32 v2, v60;
	v26 =	vmul.f32 v2, v42  }
0x357: {  	v25 =	vmul.f32 v2, v49;
	v22 =	vmul.f32 v2, v50  }
0x358: {  	v20 =	vmul.f32 v2, v44;
	v23 =	vmul.f32 v2, v4;
	v2 =	vld [tilespmem:$0x1FE50]  }
0x359: {  	v6 =	vsub.f32 $1.500000000e+00, v12;
	_ =	sdelay $0x1  }
0x35a: {  	v3 =	vmul.f32 v6, v3;
	_ =	sdelay $0x1  }
0x35b: {  	v15 =	vmul.f32 v3, v2;
	v2 =	vld [tilespmem:$0x1FE70];
	_ =	sdelay $0x4  }
0x35c: {  	v13 =	vmul.f32 v3, v2;
	v2 =	vld [tilespmem:$0x1FE80];
	_ =	sdelay $0x4  }
0x35d: {  	v31 =	vsub.f32 v31, v40;
	v9 =	vadd.f32 v10, v2;
	v2 =	vld [tilespmem:$0x1FE50]  }
0x35e: {  	v36 =	vsub.f32 v36, v17;
	v37 =	vsub.f32 v37, v17  }
0x35f: {  	v41 =	vsub.f32 v41, v17;
	v1 =	vsub.f32 v1, v17  }
0x360: {  	v0 =	vsub.f32 v30, v40;
	v30 =	vsub.f32 v32, v40  }
0x361: {  	s5 =	sadd.s32 $0x4, s5;
	v32 =	vsub.f32 v33, v40;
	v21 =	vmul.f32 v3, v29;
	v19 =	vmul.f32 v3, v60;
	v10 =	vld [tilespmem:$0x1FE70]  }
0x362: {  	p0 =	slt.u32 s5, $0x7C;
	v33 =	vsub.f32 v34, v40;
	v18 =	vmul.f32 v3, v42;
	v5 =	vmul.f32 v28, v2;
	v2 =	vld [tilespmem:$0x1FE90]  }
.Ltmp1:
0x363: {  	v34 =	vsub.f32 v46, v17;
	v16 =	vmul.f32 v3, v49;
	v14 =	vmul.f32 v3, v50;
	(pc) =	sbr.rel @p0 .LBB2_5-.Ltmp1, $4  }
0x364: {  	v46 =	vsub.f32 v58, v17;
	v12 =	vmul.f32 v3, v44;
	v7 =	vmul.f32 v28, v29  }
0x365: {  	v58 =	vsub.f32 v62, v17;
	v6 =	vmul.f32 v28, v42;
	v62 =	vmul.f32 v28, v49  }
0x366: {  	v40 =	vsub.f32 v35, v17;
	v29 =	vld [tilespmem:$0x1F9C0];
	v35 =	vmul.f32 v28, v50;
	v4 =	vmul.f32 v28, v60  }
0x367: {  	v42 =	vld [tilespmem:$0x1F9D0];
	v3 =	vmul.f32 v28, v10;
	v17 =	vadd.f32 v11, v2;
	v2 =	vmul.f32 v28, v44  }
0x368: {  	v10 =	vld [tilespmem:$0x1FAC0];
	_ =	sdelay $0x3  }
0x369: {  	[tilespmem:s31+$0x0] =	vst v9  }
0x36a: {  	v8 =	vmul.f32 v8, v10;
	v10 =	vld [tilespmem:$0x1FAD0];
	_ =	sdelay $0x3  }
0x36b: {  	v28 =	vld [tilespmem:$0x1FEE0];
	[tilespmem:s31+$0x10] =	vst v17  }
0x36c: {  	v10 =	vmul.f32 v27, v10;
	v27 =	vld [tilespmem:$0x1FEF0];
	_ =	sdelay $0x3  }
0x36d: {  	v9 =	vadd.f32 v42, v28  }
0x36e: {  	v11 =	vadd.f32 v29, v27  }
0x36f: {  	[tilespmem:s30+$0xE0] =	vst v9  }
0x370: {  	v29 =	vmul.f32 v26, v57;
	v26 =	vld [tilespmem:$0x1FE80];
	[tilespmem:s30+$0xF0] =	vst v11  }
0x371: {  	v9 =	vmul.f32 v25, v43;
	v25 =	vld [tilespmem:$0x1FE90];
	_ =	sdelay $0x3  }
0x372: {  	v8 =	vadd.f32 v8, v26  }
0x373: {  	v10 =	vadd.f32 v10, v25  }
0x374: {  	[tilespmem:s31+$0xFFFFFF00] =	vst v8  }
0x375: {  	v11 =	vmul.f32 v24, v56;
	v24 =	vld [tilespmem:$0x1FEA0];
	[tilespmem:s31+$0xFFFFFF10] =	vst v10  }
0x376: {  	v43 =	vld [tilespmem:$0x1FEB0];
	_ =	sdelay $0x3  }
0x377: {  	v8 =	vadd.f32 v29, v24  }
0x378: {  	v9 =	vadd.f32 v9, v43  }
0x379: {  	[tilespmem:s31+$0xFFFFFF20] =	vst v8  }
0x37a: {  	v44 =	vld [tilespmem:$0x1FEC0];
	[tilespmem:s31+$0xFFFFFF30] =	vst v9  }
0x37b: {  	v49 =	vld [tilespmem:$0x1FED0];
	_ =	sdelay $0x2  }
0x37c: {  	v42 =	vmul.f32 v22, v53  }
0x37d: {  	v10 =	vmul.f32 v23, v54;
	v8 =	vadd.f32 v11, v44  }
0x37e: {  	v11 =	vmul.f32 v20, v55;
	v9 =	vadd.f32 v42, v49  }
0x37f: {  	v50 =	vmul.f32 v21, v61;
	[tilespmem:s31+$0xFFFFFF40] =	vst v8;
	v8 =	vadd.f32 v10, v28  }
0x380: {  	v10 =	vmul.f32 v19, v47;
	[tilespmem:s31+$0xFFFFFF50] =	vst v9;
	v9 =	vadd.f32 v11, v27  }
0x381: {  	[tilespmem:s31+$0xFFFFFF60] =	vst v8;
	v8 =	vadd.f32 v50, v26;
	v11 =	vmul.f32 v18, v63  }
0x382: {  	v16 =	vmul.f32 v16, v45;
	[tilespmem:s31+$0xFFFFFF70] =	vst v9;
	v9 =	vadd.f32 v10, v25  }
0x383: {  	[tilespmem:s31+$0xFFFFFF80] =	vst v8;
	v8 =	vadd.f32 v11, v24  }
0x384: {  	[tilespmem:s31+$0xFFFFFF90] =	vst v9;
	v9 =	vadd.f32 v16, v43  }
0x385: {  	v11 =	vmul.f32 v14, v38;
	[tilespmem:s31+$0xFFFFFFA0] =	vst v8  }
0x386: {  	[tilespmem:s31+$0xFFFFFFB0] =	vst v9  }
0x387: {  	v10 =	vmul.f32 v15, v48;
	v9 =	vadd.f32 v11, v49;
	v11 =	vld [tilespmem:$0x1FC80];
	_ =	sdelay $0x1  }
0x388: {  	v13 =	vmul.f32 v13, v59;
	v8 =	vadd.f32 v10, v44  }
0x389: {  	v7 =	vmul.f32 v7, v40  }
0x38a: {  	v4 =	vmul.f32 v4, v36;
	v10 =	vmul.f32 v12, v39;
	[tilespmem:s31+$0xFFFFFFC0] =	vst v8;
	v8 =	vadd.f32 v13, v28  }
0x38b: {  	v6 =	vmul.f32 v6, v37;
	v7 =	vadd.f32 v7, v26;
	v0 =	vmul.f32 v11, v0;
	v11 =	vld [tilespmem:$0x1FCA0];
	[tilespmem:s31+$0xFFFFFFD0] =	vst v9  }
0x38c: {  	v56 =	vmul.f32 v5, v34;
	v55 =	vadd.f32 v4, v25;
	v9 =	vadd.f32 v10, v27;
	v10 =	vld [tilespmem:$0x1FCB0];
	[tilespmem:s31+$0xFFFFFFE0] =	vst v8  }
0x38d: {  	v59 =	vmul.f32 v35, v46;
	v57 =	vadd.f32 v6, v24;
	[tilespmem:s31+$0x80] =	vst v7  }
0x38e: {  	v1 =	vmul.f32 v2, v1;
	v4 =	vadd.f32 v56, v44;
	[tilespmem:s31+$0x90] =	vst v55  }
0x38f: {  	v61 =	vadd.f32 v59, v49;
	[tilespmem:s31+$0xA0] =	vst v57  }
0x390: {  	v63 =	vadd.f32 v1, v27;
	v8 =	vmul.f32 v51, v32;
	[tilespmem:s31+$0xC0] =	vst v4  }
0x391: {  	[tilespmem:s31+$0xD0] =	vst v61  }
0x392: {  	v3 =	vmul.f32 v3, v58;
	[tilespmem:s31+$0xF0] =	vst v63;
	v8 =	vadd.f32 v8, v49  }
0x393: {  	v0 =	vadd.f32 v0, v24;
	[tilespmem:s31+$0xFFFFFFF0] =	vst v9;
	v11 =	vmul.f32 v11, v31  }
0x394: {  	[tilespmem:s31+$0x50] =	vst v8;
	v8 =	vmul.f32 v62, v41;
	v62 =	vadd.f32 v3, v28  }
0x395: {  	[tilespmem:s31+$0x20] =	vst v0;
	v10 =	vmul.f32 v10, v30;
	v9 =	vadd.f32 v11, v43  }
0x396: {  	v11 =	vmul.f32 v52, v33;
	v60 =	vadd.f32 v8, v43;
	[tilespmem:s31+$0xE0] =	vst v62  }
0x397: {  	v53 =	vadd.f32 v10, v44;
	[tilespmem:s31+$0x30] =	vst v9  }
0x398: {  	v54 =	vadd.f32 v11, v28;
	[tilespmem:s31+$0xB0] =	vst v60  }
0x399: {  	s2 =	sshll.u32 s6, $0x4;
	[tilespmem:s31+$0x40] =	vst v53  }
0x39a: {  	s2 =	sadd.s32 s7, s2;
	[tilespmem:s31+$0x60] =	vst v54  }
0x39b: {  	[hbm4b:s2+s8] =	stream.linear.scatter [tilespmem:s22], [sflag:$0x2], $0x4000, $0x38;
	[tilespmem:$0x13C00] =	vst v63  }
0x39c: {  	_ =	swait.ge [sflag:s15], $0x4000  }
0x39d: {  	v11 =	vld [tilespmem:$0x1FFF0]  }
0x39e: {  	v48 =	vld [tilespmem:$0x1FFC0]  }
0x39f: {  	v49 =	vld [tilespmem:$0x1FFB0]  }
0x3a0: {  	v44 =	vld [tilespmem:$0x1FFE0]  }
0x3a1: {  	v59 =	vld [tilespmem:$0x1FFD0]  }
0x3a2: {  	v57 =	vld [tilespmem:$0x1FF50]  }
0x3a3: {  	v26 =	vld [tilespmem:$0x1FF60]  }
0x3a4: {  	v60 =	vld [tilespmem:$0x1FF70]  }
0x3a5: {  	v55 =	vld [tilespmem:$0x1FF80]  }
0x3a6: {  	s28 =	sadd.s32 $0x1, s28;
	v54 =	vld [tilespmem:$0x1FF90]  }
0x3a7: {  	p0 =	sne.s32 s28, $0x32;
	v50 =	vld [tilespmem:$0x1FFA0]  }
.Ltmp2:
0x3a8: {  	v51 =	vld [tilespmem:$0x1FF00];
	(pc) =	sbr.rel @p0 .LBB2_4-.Ltmp2, $4  }
0x3a9: {  	v61 =	vld [tilespmem:$0x1FF20]  }
0x3aa: {  	v62 =	vld [tilespmem:$0x1FF10]  }
0x3ab: {  	[sflag:s15] =	ssyncset.done $0x0;
	v63 =	vld [tilespmem:$0x1FF40]  }
0x3ac: {  	s25 =	sadd.s32 $0x80, s25;
	s26 =	sadd.s32 $0x80, s26;
	v10 =	vlaneseq.u32;
	v39 =	vld [tilespmem:$0x1FF30];
	[sflag:s15] =	ssyncadd.s32 $0xFFFFC000  }
0x3ad: {  	s24 =	sadd.s32 $0x1, s24  }
0x3ae: {  	p0 =	sne.s32 s24, s12  }
.Ltmp3:
0x3af: {  	_ = 	snop;
	(pc) =	sbr.rel @p0 .LBB2_1-.Ltmp3, $1  }
0x3b0: {  	_ =	sdelay $0x3  }
0x3b1: {  	_ =	sfence.sel $0x180000  }
0x3b2: {  	[bflag:$0x0] =	sbarrier.arrive $0xFFFF  }
0x3b3: {  	_ =	strace $0x90000047  }
0x3b4: {  	s0 =	stileid.u32;
	[bflag:$0x2] =	sbarrier.arrive $0xFFFF  }
0x3b5: {  	p0 =	sne.s32 s0, $0x0;
	s0 =	rddreg [dreg:$0x7]  }
0x3b6: {  	s0 =	sadd.s32 @!p0 $0x100000, s0  }
0x3b7: {  	[sflag:s0] =	ssyncadd.tile.s32 @!p0 $0x1;
	_ =	shalt  }
.Lfunc_end2:
_tile_overlayer_lowered:
.L_overlay_start_2:
0x3b8: {  	(tag) =	ssettag $0x2  }
0x3b9: {  	s0 =	rddreg [dreg:$0x0];
	s2 =	stileid.u32  }
0x3ba: {  	s1 =	rddreg [dreg:$0x1];
	p0 =	sne.s32 s2, $0x0  }
0x3bb: {  	s3 =	rddreg [dreg:$0x2];
	[bflag:$0x3] =	sbarrier.arrive $0xFFFF;
	s2 =	simm.s32 @!p0 $0x1C02  }
0x3bc: {  	[timem:s3], [sflag:s2] =	dma.local @!p0 [hbm:s0], s1  }
0x3bd: {  	s0 =	simm.s32 @!p0 $0x2  }
0x3be: {  	_ =	swait.ge @!p0 [sflag:s0], s1  }
0x3bf: {  	s1 =	ssub.s32 @!p0 $0x0, s1;
	[sflag:s0] =	ssyncset.done @!p0 $0x0  }
0x3c0: {  	[sflag:s0] =	ssyncadd.s32 @!p0 s1  }
0x3c1: {  	[bflag:$0x3] =	sbarrier.arrive $0xFFFF  }
0x3c2: {  	_ =	shalt  }

</sc_bundles>
